<compile_context>
chip_gen: v7x
topology: tpu7x:2x2x1
jax: 0.10.2.dev20260603
libtpu: 0.0.44.dev20260713+nightly
codegen_flags: <defaults>
</compile_context>

<pallas_src>
import functools

import jax
import jax.numpy as jnp
from jax import lax
from jax.experimental import pallas as pl
from jax.experimental.pallas import tpu as pltpu
import jax.experimental.pallas.tpu_sc as plsc

ROWS, COLS = 4096, 2048
N = ROWS * COLS
NBINS = 65536
HR, HC = 512, 128
NC, NS = 2, 16
NW = NC * NS
CHUNK = N // NW
BLK = 16384
NBLK = CHUNK // BLK

def _rank(q):
    pos = q * (N - 1)
    lo = int(pos)
    return lo, pos - lo

K05, F05 = _rank(0.05)
K95, F95 = _rank(0.95)


BROWS = BLK // COLS


NBUF = 3


def _hist_body(x_hbm, out_hbm, buf0, buf1, buf2, hist, sem0, sem1, sem2):
    wid = lax.axis_index("s") * NC + lax.axis_index("c")
    base = wid * (ROWS // NW)

    bufs = (buf0, buf1, buf2)
    sems = (sem0, sem1, sem2)

    def _start(b):
        return pltpu.async_copy(
            x_hbm.at[pl.ds(base + b * BROWS, BROWS)], bufs[b % NBUF], sems[b % NBUF]
        )

    ones = jnp.ones((16,), jnp.int32)
    zeros = jnp.zeros((16,), jnp.int32)

    pending = {b: _start(b) for b in range(NBUF)}

    @plsc.parallel_loop(0, NBINS // 16, unroll=8)
    def _zero(i):
        hist[pl.ds(i * 16, 16)] = zeros

    for b in range(NBLK):
        pending.pop(b).wait()
        buf = bufs[b % NBUF]

        @plsc.parallel_loop(0, BLK // 16, unroll=16)
        def _acc(i):
            v = buf[i >> 7, pl.ds((i & 127) * 16, 16)]
            bkt = lax.shift_right_logical(plsc.bitcast(v, jnp.int32), 16)
            plsc.addupdate_scatter(hist, [bkt], ones)

        if b + NBUF < NBLK:
            pending[b + NBUF] = _start(b + NBUF)

    pltpu.sync_copy(hist, out_hbm.at[wid])


@functools.cache
def _sc_hist():
    mesh = plsc.VectorSubcoreMesh(
        core_axis_name="c", subcore_axis_name="s", num_cores=NC, num_subcores=NS
    )
    return pl.kernel(
        _hist_body,
        out_type=jax.ShapeDtypeStruct((NW, NBINS), jnp.int32),
        mesh=mesh,
        compiler_params=pltpu.CompilerParams(needs_layout_passes=False),
        scratch_types=[
            pltpu.VMEM((BROWS, COLS), jnp.float32),
            pltpu.VMEM((BROWS, COLS), jnp.float32),
            pltpu.VMEM((BROWS, COLS), jnp.float32),
            pltpu.VMEM((NBINS,), jnp.int32),
            pltpu.SemaphoreType.DMA,
            pltpu.SemaphoreType.DMA,
            pltpu.SemaphoreType.DMA,
        ],
    )


def _tri(n, incl):
    r = lax.broadcasted_iota(jnp.int32, (n, n), 0)
    c = lax.broadcasted_iota(jnp.int32, (n, n), 1)
    return ((r <= c) if incl else (r > c)).astype(jnp.float32)


def _cumsum_2d(h):
    rows = h.shape[0]
    cum = jnp.dot(h, _tri(128, True), preferred_element_type=jnp.float32)
    rowtot = cum[:, 127:128]
    offs = jnp.dot(_tri(rows, False), rowtot, preferred_element_type=jnp.float32)
    return cum + offs


def _compute_inv(parts_ref, scale_ref):
    hsum = jnp.sum(parts_ref[...].astype(jnp.float32), axis=0)
    h = hsum.reshape(HR, HC)
    fp = _cumsum_2d(h[:256])
    fn = _cumsum_2d(h[256:])
    tn = fn[255, 127]

    def value_of_rank(k):
        kf = jnp.float32(k)
        jn = jnp.sum(((tn - fn) > kf).astype(jnp.float32))
        jp = jnp.sum(((tn + fp) <= kf).astype(jnp.float32))
        bucket = jnp.where(kf < tn, 32768.0 + jn, jp).astype(jnp.int32)
        bits = jnp.bitwise_or(lax.shift_left(bucket, 16), 0x8000)
        return lax.bitcast_convert_type(bits, jnp.float32)

    v05 = value_of_rank(K05) * (1.0 - F05) + value_of_rank(K05 + 1) * F05
    v95 = value_of_rank(K95) * (1.0 - F95) + value_of_rank(K95 + 1) * F95
    current_scale = v95 - v05
    new_scale = 0.99 * scale_ref[...] + 0.01 * current_scale
    return 1.0 / jnp.maximum(1.0, new_scale)


_NORM_GRID = 16
_NORM_ROWS = ROWS // _NORM_GRID


def _norm_body(parts_ref, scale_ref, x_ref, o_ref, inv_ref):
    @pl.when(pl.program_id(0) == 0)
    def _():
        inv_ref[...] = _compute_inv(parts_ref, scale_ref)

    o_ref[...] = x_ref[...] * inv_ref[...]


_norm_call = pl.pallas_call(
    _norm_body,
    grid=(_NORM_GRID,),
    out_shape=jax.ShapeDtypeStruct((ROWS, COLS), jnp.float32),
    in_specs=[
        pl.BlockSpec((NW, NBINS), lambda i: (0, 0)),
        pl.BlockSpec((1, 1), lambda i: (0, 0)),
        pl.BlockSpec((_NORM_ROWS, COLS), lambda i: (i, 0)),
    ],
    out_specs=pl.BlockSpec((_NORM_ROWS, COLS), lambda i: (i, 0)),
    scratch_shapes=[pltpu.VMEM((1, 1), jnp.float32)],
)


def kernel(returns, scale):
    parts = _sc_hist()(returns)
    return _norm_call(parts, scale.reshape(1, 1), returns)

# --- scband reference (transcript-rebuilt; emitter-appended) ---
"""Pipeline reference for scband-return-normalizer-68728066671059 (READ-ONLY COPY).

The authoritative reference and input builder live on the scoring server;
editing this copy changes nothing except your own understanding.
"""

import jax, jax.numpy as jnp
import numpy as np


def setup_inputs(seed: int = 0) -> dict:
    key = jax.random.key(seed)
    returns = jax.random.normal(key, (4096, 2048), dtype=jnp.float32) * 3.0
    # registered buffer: scale initialized to ones(1)
    scale = jnp.ones((1,), dtype=jnp.float32)
    return {"returns": returns, "scale": scale}


def reference(returns, scale):
    decay = 0.99
    # get_scale: percentile spread
    p95 = jnp.quantile(returns, 0.95)
    p05 = jnp.quantile(returns, 0.05)
    current_scale = p95 - p05
    # EMA buffer update (training=True path)
    new_scale = decay * scale + (1.0 - decay) * current_scale
    # normalize with lower clamp of 1
    normalized = returns / jnp.maximum(jnp.ones_like(new_scale), new_scale)
    return normalized

if __name__ == "__main__":
    import jax
    _d = setup_inputs()
    print(jax.jit(kernel)(*tuple(_d.values())))

</pallas_src>

<mosaic_0001>
#map = affine_map<(d0, d1) -> (0, 0)>
module attributes {stable_mosaic.version = 14 : i64} {
  func.func @_hist_body(%arg0: i32, %arg1: i32, %arg2: memref<4096x2048xf32, #tpu.memory_space<hbm>>, %arg3: memref<32x65536xi32, #tpu.memory_space<hbm>>, %arg4: memref<8x2048xf32, #tpu.memory_space<vmem>>, %arg5: memref<8x2048xf32, #tpu.memory_space<vmem>>, %arg6: memref<8x2048xf32, #tpu.memory_space<vmem>>, %arg7: memref<65536xi32, #tpu.memory_space<vmem>>, %arg8: memref<!tpu.dma_semaphore, #tpu.memory_space<semaphore_mem>>, %arg9: memref<!tpu.dma_semaphore, #tpu.memory_space<semaphore_mem>>, %arg10: memref<!tpu.dma_semaphore, #tpu.memory_space<semaphore_mem>>) attributes {dimension_semantics = [#tpu.dimension_semantics<core_parallel>, #tpu.dimension_semantics<subcore_parallel>], iteration_bounds = array<i64: 2, 16>, scalar_prefetch = 0 : i64, scratch_operands = 7 : i64, tpu.core_type = #tpu.core_type<sc_vector_subcore>, window_params = [{transform_indices = #map}, {transform_indices = #map}]} {
    %mul3A = arith.constant 2 : i32
    %mul3A_0 = arith.muli %arg1, %mul3A : i32
    %add3A = arith.addi %mul3A_0, %arg0 : i32
    %mul3A_1 = arith.constant 128 : i32
    %mul3A_2 = arith.muli %add3A, %mul3A_1 : i32
    %broadcast_in_dim3A = arith.constant 1 : i32
    %broadcast_in_dim3A_3 = vector.broadcast %broadcast_in_dim3A : i32 to vector<16xi32>
    %broadcast_in_dim3A_4 = arith.constant 0 : i32
    %broadcast_in_dim3A_5 = vector.broadcast %broadcast_in_dim3A_4 : i32 to vector<16xi32>
    %add3A_6 = arith.constant 0 : i32
    %add3A_7 = arith.addi %mul3A_2, %add3A_6 : i32
    %dma_start3A = arith.constant 0 : i32
    %dma_start3A_8 = tpu.memref_slice %arg2[%add3A_7, %dma_start3A] : memref<4096x2048xf32, #tpu.memory_space<hbm>> -> memref<8x2048xf32, #tpu.memory_space<hbm>>
    %dma_start3A_9 = arith.constant 0 : i32
    %dma_start3A_10 = tpu.memref_slice %arg2[%add3A_7, %dma_start3A_9] : memref<4096x2048xf32, #tpu.memory_space<hbm>> -> memref<8x2048xf32, #tpu.memory_space<hbm>>
    tpu.enqueue_dma source(%dma_start3A_10 : memref<8x2048xf32, #tpu.memory_space<hbm>>) target(%arg4 : memref<8x2048xf32, #tpu.memory_space<vmem>>) target_semaphore(%arg8 : memref<!tpu.dma_semaphore, #tpu.memory_space<semaphore_mem>>)
    %add3A_11 = arith.constant 8 : i32
    %add3A_12 = arith.addi %mul3A_2, %add3A_11 : i32
    %dma_start3A_13 = arith.constant 0 : i32
    %dma_start3A_14 = tpu.memref_slice %arg2[%add3A_12, %dma_start3A_13] : memref<4096x2048xf32, #tpu.memory_space<hbm>> -> memref<8x2048xf32, #tpu.memory_space<hbm>>
    %dma_start3A_15 = arith.constant 0 : i32
    %dma_start3A_16 = tpu.memref_slice %arg2[%add3A_12, %dma_start3A_15] : memref<4096x2048xf32, #tpu.memory_space<hbm>> -> memref<8x2048xf32, #tpu.memory_space<hbm>>
    tpu.enqueue_dma source(%dma_start3A_16 : memref<8x2048xf32, #tpu.memory_space<hbm>>) target(%arg5 : memref<8x2048xf32, #tpu.memory_space<vmem>>) target_semaphore(%arg9 : memref<!tpu.dma_semaphore, #tpu.memory_space<semaphore_mem>>)
    %add3A_17 = arith.constant 16 : i32
    %add3A_18 = arith.addi %mul3A_2, %add3A_17 : i32
    %dma_start3A_19 = arith.constant 0 : i32
    %dma_start3A_20 = tpu.memref_slice %arg2[%add3A_18, %dma_start3A_19] : memref<4096x2048xf32, #tpu.memory_space<hbm>> -> memref<8x2048xf32, #tpu.memory_space<hbm>>
    %dma_start3A_21 = arith.constant 0 : i32
    %dma_start3A_22 = tpu.memref_slice %arg2[%add3A_18, %dma_start3A_21] : memref<4096x2048xf32, #tpu.memory_space<hbm>> -> memref<8x2048xf32, #tpu.memory_space<hbm>>
    tpu.enqueue_dma source(%dma_start3A_22 : memref<8x2048xf32, #tpu.memory_space<hbm>>) target(%arg6 : memref<8x2048xf32, #tpu.memory_space<vmem>>) target_semaphore(%arg10 : memref<!tpu.dma_semaphore, #tpu.memory_space<semaphore_mem>>)
    %parallel_loop3A = arith.constant 0 : i32
    %parallel_loop3A_23 = arith.constant 4096 : i32
    %parallel_loop3A_24 = arith.constant 1 : i32
    scf.for %parallel_loop3A_214 = %parallel_loop3A to %parallel_loop3A_23 step %parallel_loop3A_24  : i32 {
      %parallel_loop3A_215 = arith.constant 16 : i32
      %parallel_loop3A_216 = arith.muli %parallel_loop3A_214, %parallel_loop3A_215 : i32
      %parallel_loop3A_217 = arith.index_cast %parallel_loop3A_216 : i32 to index
      %parallel_loop3A_218 = tpu.vector_load %arg7[%parallel_loop3A_217] {strides = array<i32>} : memref<65536xi32, #tpu.memory_space<vmem>>, vector<16xi32>,
      tpu.vector_store %arg7[%parallel_loop3A_217], %broadcast_in_dim3A_5 {strides = array<i32>} : memref<65536xi32, #tpu.memory_space<vmem>>, vector<16xi32>,
    } {sc.loop_unroll_factor = 8 : i64, sc.parallel_access}
    %dma_wait3A = arith.constant 0 : i32
    %dma_wait3A_25 = tpu.memref_slice %arg2[%add3A_7, %dma_wait3A] : memref<4096x2048xf32, #tpu.memory_space<hbm>> -> memref<8x2048xf32, #tpu.memory_space<hbm>>
    %dma_wait3A_26 = arith.constant 0 : i32
    %dma_wait3A_27 = tpu.memref_slice %arg2[%add3A_7, %dma_wait3A_26] : memref<4096x2048xf32, #tpu.memory_space<hbm>> -> memref<8x2048xf32, #tpu.memory_space<hbm>>
    tpu.wait_dma2 semaphore(%arg8 : memref<!tpu.dma_semaphore, #tpu.memory_space<semaphore_mem>>) src(%dma_wait3A_27 : memref<8x2048xf32, #tpu.memory_space<hbm>>) dst(%arg4 : memref<8x2048xf32, #tpu.memory_space<vmem>>)
    %parallel_loop3A_28 = arith.constant 0 : i32
    %parallel_loop3A_29 = arith.constant 1024 : i32
    %parallel_loop3A_30 = arith.constant 1 : i32
    scf.for %parallel_loop3A_214 = %parallel_loop3A_28 to %parallel_loop3A_29 step %parallel_loop3A_30  : i32 {
      %parallel_loop3A_215 = arith.constant 7 : i32
      %parallel_loop3A_216 = arith.shrsi %parallel_loop3A_214, %parallel_loop3A_215 : i32
      %parallel_loop3A_217 = arith.constant 127 : i32
      %parallel_loop3A_218 = arith.andi %parallel_loop3A_214, %parallel_loop3A_217 : i32
      %parallel_loop3A_219 = arith.constant 16 : i32
      %parallel_loop3A_220 = arith.muli %parallel_loop3A_218, %parallel_loop3A_219 : i32
      %parallel_loop3A_221 = arith.index_cast %parallel_loop3A_216 : i32 to index
      %parallel_loop3A_222 = arith.index_cast %parallel_loop3A_220 : i32 to index
      %parallel_loop3A_223 = tpu.vector_load %arg4[%parallel_loop3A_221, %parallel_loop3A_222] {strides = array<i32>} : memref<8x2048xf32, #tpu.memory_space<vmem>>, vector<16xf32>,
      %parallel_loop3A_224 = vector.bitcast %parallel_loop3A_223 : vector<16xf32> to vector<16xi32>
      %parallel_loop3A_225 = arith.constant 16 : i32
      %parallel_loop3A_226 = vector.broadcast %parallel_loop3A_225 : i32 to vector<16xi32>
      %parallel_loop3A_227 = arith.shrui %parallel_loop3A_224, %parallel_loop3A_226 : vector<16xi32>
      tpu.vector_store_idx %arg7[%parallel_loop3A_227], %broadcast_in_dim3A_3 {add = true} : memref<65536xi32, #tpu.memory_space<vmem>>[vector<16xi32>], vector<16xi32>,
    } {sc.loop_unroll_factor = 16 : i64, sc.parallel_access}
    %add3A_31 = arith.constant 24 : i32
    %add3A_32 = arith.addi %mul3A_2, %add3A_31 : i32
    %dma_start3A_33 = arith.constant 0 : i32
    %dma_start3A_34 = tpu.memref_slice %arg2[%add3A_32, %dma_start3A_33] : memref<4096x2048xf32, #tpu.memory_space<hbm>> -> memref<8x2048xf32, #tpu.memory_space<hbm>>
    %dma_start3A_35 = arith.constant 0 : i32
    %dma_start3A_36 = tpu.memref_slice %arg2[%add3A_32, %dma_start3A_35] : memref<4096x2048xf32, #tpu.memory_space<hbm>> -> memref<8x2048xf32, #tpu.memory_space<hbm>>
    tpu.enqueue_dma source(%dma_start3A_36 : memref<8x2048xf32, #tpu.memory_space<hbm>>) target(%arg4 : memref<8x2048xf32, #tpu.memory_space<vmem>>) target_semaphore(%arg8 : memref<!tpu.dma_semaphore, #tpu.memory_space<semaphore_mem>>)
    %dma_wait3A_37 = arith.constant 0 : i32
    %dma_wait3A_38 = tpu.memref_slice %arg2[%add3A_12, %dma_wait3A_37] : memref<4096x2048xf32, #tpu.memory_space<hbm>> -> memref<8x2048xf32, #tpu.memory_space<hbm>>
    %dma_wait3A_39 = arith.constant 0 : i32
    %dma_wait3A_40 = tpu.memref_slice %arg2[%add3A_12, %dma_wait3A_39] : memref<4096x2048xf32, #tpu.memory_space<hbm>> -> memref<8x2048xf32, #tpu.memory_space<hbm>>
    tpu.wait_dma2 semaphore(%arg9 : memref<!tpu.dma_semaphore, #tpu.memory_space<semaphore_mem>>) src(%dma_wait3A_40 : memref<8x2048xf32, #tpu.memory_space<hbm>>) dst(%arg5 : memref<8x2048xf32, #tpu.memory_space<vmem>>)
    %parallel_loop3A_41 = arith.constant 0 : i32
    %parallel_loop3A_42 = arith.constant 1024 : i32
    %parallel_loop3A_43 = arith.constant 1 : i32
    scf.for %parallel_loop3A_214 = %parallel_loop3A_41 to %parallel_loop3A_42 step %parallel_loop3A_43  : i32 {
      %parallel_loop3A_215 = arith.constant 7 : i32
      %parallel_loop3A_216 = arith.shrsi %parallel_loop3A_214, %parallel_loop3A_215 : i32
      %parallel_loop3A_217 = arith.constant 127 : i32
      %parallel_loop3A_218 = arith.andi %parallel_loop3A_214, %parallel_loop3A_217 : i32
      %parallel_loop3A_219 = arith.constant 16 : i32
      %parallel_loop3A_220 = arith.muli %parallel_loop3A_218, %parallel_loop3A_219 : i32
      %parallel_loop3A_221 = arith.index_cast %parallel_loop3A_216 : i32 to index
      %parallel_loop3A_222 = arith.index_cast %parallel_loop3A_220 : i32 to index
      %parallel_loop3A_223 = tpu.vector_load %arg5[%parallel_loop3A_221, %parallel_loop3A_222] {strides = array<i32>} : memref<8x2048xf32, #tpu.memory_space<vmem>>, vector<16xf32>,
      %parallel_loop3A_224 = vector.bitcast %parallel_loop3A_223 : vector<16xf32> to vector<16xi32>
      %parallel_loop3A_225 = arith.constant 16 : i32
      %parallel_loop3A_226 = vector.broadcast %parallel_loop3A_225 : i32 to vector<16xi32>
      %parallel_loop3A_227 = arith.shrui %parallel_loop3A_224, %parallel_loop3A_226 : vector<16xi32>
      tpu.vector_store_idx %arg7[%parallel_loop3A_227], %broadcast_in_dim3A_3 {add = true} : memref<65536xi32, #tpu.memory_space<vmem>>[vector<16xi32>], vector<16xi32>,
    } {sc.loop_unroll_factor = 16 : i64, sc.parallel_access}
    %add3A_44 = arith.constant 32 : i32
    %add3A_45 = arith.addi %mul3A_2, %add3A_44 : i32
    %dma_start3A_46 = arith.constant 0 : i32
    %dma_start3A_47 = tpu.memref_slice %arg2[%add3A_45, %dma_start3A_46] : memref<4096x2048xf32, #tpu.memory_space<hbm>> -> memref<8x2048xf32, #tpu.memory_space<hbm>>
    %dma_start3A_48 = arith.constant 0 : i32
    %dma_start3A_49 = tpu.memref_slice %arg2[%add3A_45, %dma_start3A_48] : memref<4096x2048xf32, #tpu.memory_space<hbm>> -> memref<8x2048xf32, #tpu.memory_space<hbm>>
    tpu.enqueue_dma source(%dma_start3A_49 : memref<8x2048xf32, #tpu.memory_space<hbm>>) target(%arg5 : memref<8x2048xf32, #tpu.memory_space<vmem>>) target_semaphore(%arg9 : memref<!tpu.dma_semaphore, #tpu.memory_space<semaphore_mem>>)
    %dma_wait3A_50 = arith.constant 0 : i32
    %dma_wait3A_51 = tpu.memref_slice %arg2[%add3A_18, %dma_wait3A_50] : memref<4096x2048xf32, #tpu.memory_space<hbm>> -> memref<8x2048xf32, #tpu.memory_space<hbm>>
    %dma_wait3A_52 = arith.constant 0 : i32
    %dma_wait3A_53 = tpu.memref_slice %arg2[%add3A_18, %dma_wait3A_52] : memref<4096x2048xf32, #tpu.memory_space<hbm>> -> memref<8x2048xf32, #tpu.memory_space<hbm>>
    tpu.wait_dma2 semaphore(%arg10 : memref<!tpu.dma_semaphore, #tpu.memory_space<semaphore_mem>>) src(%dma_wait3A_53 : memref<8x2048xf32, #tpu.memory_space<hbm>>) dst(%arg6 : memref<8x2048xf32, #tpu.memory_space<vmem>>)
    %parallel_loop3A_54 = arith.constant 0 : i32
    %parallel_loop3A_55 = arith.constant 1024 : i32
    %parallel_loop3A_56 = arith.constant 1 : i32
    scf.for %parallel_loop3A_214 = %parallel_loop3A_54 to %parallel_loop3A_55 step %parallel_loop3A_56  : i32 {
      %parallel_loop3A_215 = arith.constant 7 : i32
      %parallel_loop3A_216 = arith.shrsi %parallel_loop3A_214, %parallel_loop3A_215 : i32
      %parallel_loop3A_217 = arith.constant 127 : i32
      %parallel_loop3A_218 = arith.andi %parallel_loop3A_214, %parallel_loop3A_217 : i32
      %parallel_loop3A_219 = arith.constant 16 : i32
      %parallel_loop3A_220 = arith.muli %parallel_loop3A_218, %parallel_loop3A_219 : i32
      %parallel_loop3A_221 = arith.index_cast %parallel_loop3A_216 : i32 to index
      %parallel_loop3A_222 = arith.index_cast %parallel_loop3A_220 : i32 to index
      %parallel_loop3A_223 = tpu.vector_load %arg6[%parallel_loop3A_221, %parallel_loop3A_222] {strides = array<i32>} : memref<8x2048xf32, #tpu.memory_space<vmem>>, vector<16xf32>,
      %parallel_loop3A_224 = vector.bitcast %parallel_loop3A_223 : vector<16xf32> to vector<16xi32>
      %parallel_loop3A_225 = arith.constant 16 : i32
      %parallel_loop3A_226 = vector.broadcast %parallel_loop3A_225 : i32 to vector<16xi32>
      %parallel_loop3A_227 = arith.shrui %parallel_loop3A_224, %parallel_loop3A_226 : vector<16xi32>
      tpu.vector_store_idx %arg7[%parallel_loop3A_227], %broadcast_in_dim3A_3 {add = true} : memref<65536xi32, #tpu.memory_space<vmem>>[vector<16xi32>], vector<16xi32>,
    } {sc.loop_unroll_factor = 16 : i64, sc.parallel_access}
    %add3A_57 = arith.constant 40 : i32
    %add3A_58 = arith.addi %mul3A_2, %add3A_57 : i32
    %dma_start3A_59 = arith.constant 0 : i32
    %dma_start3A_60 = tpu.memref_slice %arg2[%add3A_58, %dma_start3A_59] : memref<4096x2048xf32, #tpu.memory_space<hbm>> -> memref<8x2048xf32, #tpu.memory_space<hbm>>
    %dma_start3A_61 = arith.constant 0 : i32
    %dma_start3A_62 = tpu.memref_slice %arg2[%add3A_58, %dma_start3A_61] : memref<4096x2048xf32, #tpu.memory_space<hbm>> -> memref<8x2048xf32, #tpu.memory_space<hbm>>
    tpu.enqueue_dma source(%dma_start3A_62 : memref<8x2048xf32, #tpu.memory_space<hbm>>) target(%arg6 : memref<8x2048xf32, #tpu.memory_space<vmem>>) target_semaphore(%arg10 : memref<!tpu.dma_semaphore, #tpu.memory_space<semaphore_mem>>)
    %dma_wait3A_63 = arith.constant 0 : i32
    %dma_wait3A_64 = tpu.memref_slice %arg2[%add3A_32, %dma_wait3A_63] : memref<4096x2048xf32, #tpu.memory_space<hbm>> -> memref<8x2048xf32, #tpu.memory_space<hbm>>
    %dma_wait3A_65 = arith.constant 0 : i32
    %dma_wait3A_66 = tpu.memref_slice %arg2[%add3A_32, %dma_wait3A_65] : memref<4096x2048xf32, #tpu.memory_space<hbm>> -> memref<8x2048xf32, #tpu.memory_space<hbm>>
    tpu.wait_dma2 semaphore(%arg8 : memref<!tpu.dma_semaphore, #tpu.memory_space<semaphore_mem>>) src(%dma_wait3A_66 : memref<8x2048xf32, #tpu.memory_space<hbm>>) dst(%arg4 : memref<8x2048xf32, #tpu.memory_space<vmem>>)
    %parallel_loop3A_67 = arith.constant 0 : i32
    %parallel_loop3A_68 = arith.constant 1024 : i32
    %parallel_loop3A_69 = arith.constant 1 : i32
    scf.for %parallel_loop3A_214 = %parallel_loop3A_67 to %parallel_loop3A_68 step %parallel_loop3A_69  : i32 {
      %parallel_loop3A_215 = arith.constant 7 : i32
      %parallel_loop3A_216 = arith.shrsi %parallel_loop3A_214, %parallel_loop3A_215 : i32
      %parallel_loop3A_217 = arith.constant 127 : i32
      %parallel_loop3A_218 = arith.andi %parallel_loop3A_214, %parallel_loop3A_217 : i32
      %parallel_loop3A_219 = arith.constant 16 : i32
      %parallel_loop3A_220 = arith.muli %parallel_loop3A_218, %parallel_loop3A_219 : i32
      %parallel_loop3A_221 = arith.index_cast %parallel_loop3A_216 : i32 to index
      %parallel_loop3A_222 = arith.index_cast %parallel_loop3A_220 : i32 to index
      %parallel_loop3A_223 = tpu.vector_load %arg4[%parallel_loop3A_221, %parallel_loop3A_222] {strides = array<i32>} : memref<8x2048xf32, #tpu.memory_space<vmem>>, vector<16xf32>,
      %parallel_loop3A_224 = vector.bitcast %parallel_loop3A_223 : vector<16xf32> to vector<16xi32>
      %parallel_loop3A_225 = arith.constant 16 : i32
      %parallel_loop3A_226 = vector.broadcast %parallel_loop3A_225 : i32 to vector<16xi32>
      %parallel_loop3A_227 = arith.shrui %parallel_loop3A_224, %parallel_loop3A_226 : vector<16xi32>
      tpu.vector_store_idx %arg7[%parallel_loop3A_227], %broadcast_in_dim3A_3 {add = true} : memref<65536xi32, #tpu.memory_space<vmem>>[vector<16xi32>], vector<16xi32>,
    } {sc.loop_unroll_factor = 16 : i64, sc.parallel_access}
    %add3A_70 = arith.constant 48 : i32
    %add3A_71 = arith.addi %mul3A_2, %add3A_70 : i32
    %dma_start3A_72 = arith.constant 0 : i32
    %dma_start3A_73 = tpu.memref_slice %arg2[%add3A_71, %dma_start3A_72] : memref<4096x2048xf32, #tpu.memory_space<hbm>> -> memref<8x2048xf32, #tpu.memory_space<hbm>>
    %dma_start3A_74 = arith.constant 0 : i32
    %dma_start3A_75 = tpu.memref_slice %arg2[%add3A_71, %dma_start3A_74] : memref<4096x2048xf32, #tpu.memory_space<hbm>> -> memref<8x2048xf32, #tpu.memory_space<hbm>>
    tpu.enqueue_dma source(%dma_start3A_75 : memref<8x2048xf32, #tpu.memory_space<hbm>>) target(%arg4 : memref<8x2048xf32, #tpu.memory_space<vmem>>) target_semaphore(%arg8 : memref<!tpu.dma_semaphore, #tpu.memory_space<semaphore_mem>>)
    %dma_wait3A_76 = arith.constant 0 : i32
    %dma_wait3A_77 = tpu.memref_slice %arg2[%add3A_45, %dma_wait3A_76] : memref<4096x2048xf32, #tpu.memory_space<hbm>> -> memref<8x2048xf32, #tpu.memory_space<hbm>>
    %dma_wait3A_78 = arith.constant 0 : i32
    %dma_wait3A_79 = tpu.memref_slice %arg2[%add3A_45, %dma_wait3A_78] : memref<4096x2048xf32, #tpu.memory_space<hbm>> -> memref<8x2048xf32, #tpu.memory_space<hbm>>
    tpu.wait_dma2 semaphore(%arg9 : memref<!tpu.dma_semaphore, #tpu.memory_space<semaphore_mem>>) src(%dma_wait3A_79 : memref<8x2048xf32, #tpu.memory_space<hbm>>) dst(%arg5 : memref<8x2048xf32, #tpu.memory_space<vmem>>)
    %parallel_loop3A_80 = arith.constant 0 : i32
    %parallel_loop3A_81 = arith.constant 1024 : i32
    %parallel_loop3A_82 = arith.constant 1 : i32
    scf.for %parallel_loop3A_214 = %parallel_loop3A_80 to %parallel_loop3A_81 step %parallel_loop3A_82  : i32 {
      %parallel_loop3A_215 = arith.constant 7 : i32
      %parallel_loop3A_216 = arith.shrsi %parallel_loop3A_214, %parallel_loop3A_215 : i32
      %parallel_loop3A_217 = arith.constant 127 : i32
      %parallel_loop3A_218 = arith.andi %parallel_loop3A_214, %parallel_loop3A_217 : i32
      %parallel_loop3A_219 = arith.constant 16 : i32
      %parallel_loop3A_220 = arith.muli %parallel_loop3A_218, %parallel_loop3A_219 : i32
      %parallel_loop3A_221 = arith.index_cast %parallel_loop3A_216 : i32 to index
      %parallel_loop3A_222 = arith.index_cast %parallel_loop3A_220 : i32 to index
      %parallel_loop3A_223 = tpu.vector_load %arg5[%parallel_loop3A_221, %parallel_loop3A_222] {strides = array<i32>} : memref<8x2048xf32, #tpu.memory_space<vmem>>, vector<16xf32>,
      %parallel_loop3A_224 = vector.bitcast %parallel_loop3A_223 : vector<16xf32> to vector<16xi32>
      %parallel_loop3A_225 = arith.constant 16 : i32
      %parallel_loop3A_226 = vector.broadcast %parallel_loop3A_225 : i32 to vector<16xi32>
      %parallel_loop3A_227 = arith.shrui %parallel_loop3A_224, %parallel_loop3A_226 : vector<16xi32>
      tpu.vector_store_idx %arg7[%parallel_loop3A_227], %broadcast_in_dim3A_3 {add = true} : memref<65536xi32, #tpu.memory_space<vmem>>[vector<16xi32>], vector<16xi32>,
    } {sc.loop_unroll_factor = 16 : i64, sc.parallel_access}
    %add3A_83 = arith.constant 56 : i32
    %add3A_84 = arith.addi %mul3A_2, %add3A_83 : i32
    %dma_start3A_85 = arith.constant 0 : i32
    %dma_start3A_86 = tpu.memref_slice %arg2[%add3A_84, %dma_start3A_85] : memref<4096x2048xf32, #tpu.memory_space<hbm>> -> memref<8x2048xf32, #tpu.memory_space<hbm>>
    %dma_start3A_87 = arith.constant 0 : i32
    %dma_start3A_88 = tpu.memref_slice %arg2[%add3A_84, %dma_start3A_87] : memref<4096x2048xf32, #tpu.memory_space<hbm>> -> memref<8x2048xf32, #tpu.memory_space<hbm>>
    tpu.enqueue_dma source(%dma_start3A_88 : memref<8x2048xf32, #tpu.memory_space<hbm>>) target(%arg5 : memref<8x2048xf32, #tpu.memory_space<vmem>>) target_semaphore(%arg9 : memref<!tpu.dma_semaphore, #tpu.memory_space<semaphore_mem>>)
    %dma_wait3A_89 = arith.constant 0 : i32
    %dma_wait3A_90 = tpu.memref_slice %arg2[%add3A_58, %dma_wait3A_89] : memref<4096x2048xf32, #tpu.memory_space<hbm>> -> memref<8x2048xf32, #tpu.memory_space<hbm>>
    %dma_wait3A_91 = arith.constant 0 : i32
    %dma_wait3A_92 = tpu.memref_slice %arg2[%add3A_58, %dma_wait3A_91] : memref<4096x2048xf32, #tpu.memory_space<hbm>> -> memref<8x2048xf32, #tpu.memory_space<hbm>>
    tpu.wait_dma2 semaphore(%arg10 : memref<!tpu.dma_semaphore, #tpu.memory_space<semaphore_mem>>) src(%dma_wait3A_92 : memref<8x2048xf32, #tpu.memory_space<hbm>>) dst(%arg6 : memref<8x2048xf32, #tpu.memory_space<vmem>>)
    %parallel_loop3A_93 = arith.constant 0 : i32
    %parallel_loop3A_94 = arith.constant 1024 : i32
    %parallel_loop3A_95 = arith.constant 1 : i32
    scf.for %parallel_loop3A_214 = %parallel_loop3A_93 to %parallel_loop3A_94 step %parallel_loop3A_95  : i32 {
      %parallel_loop3A_215 = arith.constant 7 : i32
      %parallel_loop3A_216 = arith.shrsi %parallel_loop3A_214, %parallel_loop3A_215 : i32
      %parallel_loop3A_217 = arith.constant 127 : i32
      %parallel_loop3A_218 = arith.andi %parallel_loop3A_214, %parallel_loop3A_217 : i32
      %parallel_loop3A_219 = arith.constant 16 : i32
      %parallel_loop3A_220 = arith.muli %parallel_loop3A_218, %parallel_loop3A_219 : i32
      %parallel_loop3A_221 = arith.index_cast %parallel_loop3A_216 : i32 to index
      %parallel_loop3A_222 = arith.index_cast %parallel_loop3A_220 : i32 to index
      %parallel_loop3A_223 = tpu.vector_load %arg6[%parallel_loop3A_221, %parallel_loop3A_222] {strides = array<i32>} : memref<8x2048xf32, #tpu.memory_space<vmem>>, vector<16xf32>,
      %parallel_loop3A_224 = vector.bitcast %parallel_loop3A_223 : vector<16xf32> to vector<16xi32>
      %parallel_loop3A_225 = arith.constant 16 : i32
      %parallel_loop3A_226 = vector.broadcast %parallel_loop3A_225 : i32 to vector<16xi32>
      %parallel_loop3A_227 = arith.shrui %parallel_loop3A_224, %parallel_loop3A_226 : vector<16xi32>
      tpu.vector_store_idx %arg7[%parallel_loop3A_227], %broadcast_in_dim3A_3 {add = true} : memref<65536xi32, #tpu.memory_space<vmem>>[vector<16xi32>], vector<16xi32>,
    } {sc.loop_unroll_factor = 16 : i64, sc.parallel_access}
    %add3A_96 = arith.constant 64 : i32
    %add3A_97 = arith.addi %mul3A_2, %add3A_96 : i32
    %dma_start3A_98 = arith.constant 0 : i32
    %dma_start3A_99 = tpu.memref_slice %arg2[%add3A_97, %dma_start3A_98] : memref<4096x2048xf32, #tpu.memory_space<hbm>> -> memref<8x2048xf32, #tpu.memory_space<hbm>>
    %dma_start3A_100 = arith.constant 0 : i32
    %dma_start3A_101 = tpu.memref_slice %arg2[%add3A_97, %dma_start3A_100] : memref<4096x2048xf32, #tpu.memory_space<hbm>> -> memref<8x2048xf32, #tpu.memory_space<hbm>>
    tpu.enqueue_dma source(%dma_start3A_101 : memref<8x2048xf32, #tpu.memory_space<hbm>>) target(%arg6 : memref<8x2048xf32, #tpu.memory_space<vmem>>) target_semaphore(%arg10 : memref<!tpu.dma_semaphore, #tpu.memory_space<semaphore_mem>>)
    %dma_wait3A_102 = arith.constant 0 : i32
    %dma_wait3A_103 = tpu.memref_slice %arg2[%add3A_71, %dma_wait3A_102] : memref<4096x2048xf32, #tpu.memory_space<hbm>> -> memref<8x2048xf32, #tpu.memory_space<hbm>>
    %dma_wait3A_104 = arith.constant 0 : i32
    %dma_wait3A_105 = tpu.memref_slice %arg2[%add3A_71, %dma_wait3A_104] : memref<4096x2048xf32, #tpu.memory_space<hbm>> -> memref<8x2048xf32, #tpu.memory_space<hbm>>
    tpu.wait_dma2 semaphore(%arg8 : memref<!tpu.dma_semaphore, #tpu.memory_space<semaphore_mem>>) src(%dma_wait3A_105 : memref<8x2048xf32, #tpu.memory_space<hbm>>) dst(%arg4 : memref<8x2048xf32, #tpu.memory_space<vmem>>)
    %parallel_loop3A_106 = arith.constant 0 : i32
    %parallel_loop3A_107 = arith.constant 1024 : i32
    %parallel_loop3A_108 = arith.constant 1 : i32
    scf.for %parallel_loop3A_214 = %parallel_loop3A_106 to %parallel_loop3A_107 step %parallel_loop3A_108  : i32 {
      %parallel_loop3A_215 = arith.constant 7 : i32
      %parallel_loop3A_216 = arith.shrsi %parallel_loop3A_214, %parallel_loop3A_215 : i32
      %parallel_loop3A_217 = arith.constant 127 : i32
      %parallel_loop3A_218 = arith.andi %parallel_loop3A_214, %parallel_loop3A_217 : i32
      %parallel_loop3A_219 = arith.constant 16 : i32
      %parallel_loop3A_220 = arith.muli %parallel_loop3A_218, %parallel_loop3A_219 : i32
      %parallel_loop3A_221 = arith.index_cast %parallel_loop3A_216 : i32 to index
      %parallel_loop3A_222 = arith.index_cast %parallel_loop3A_220 : i32 to index
      %parallel_loop3A_223 = tpu.vector_load %arg4[%parallel_loop3A_221, %parallel_loop3A_222] {strides = array<i32>} : memref<8x2048xf32, #tpu.memory_space<vmem>>, vector<16xf32>,
      %parallel_loop3A_224 = vector.bitcast %parallel_loop3A_223 : vector<16xf32> to vector<16xi32>
      %parallel_loop3A_225 = arith.constant 16 : i32
      %parallel_loop3A_226 = vector.broadcast %parallel_loop3A_225 : i32 to vector<16xi32>
      %parallel_loop3A_227 = arith.shrui %parallel_loop3A_224, %parallel_loop3A_226 : vector<16xi32>
      tpu.vector_store_idx %arg7[%parallel_loop3A_227], %broadcast_in_dim3A_3 {add = true} : memref<65536xi32, #tpu.memory_space<vmem>>[vector<16xi32>], vector<16xi32>,
    } {sc.loop_unroll_factor = 16 : i64, sc.parallel_access}
    %add3A_109 = arith.constant 72 : i32
    %add3A_110 = arith.addi %mul3A_2, %add3A_109 : i32
    %dma_start3A_111 = arith.constant 0 : i32
    %dma_start3A_112 = tpu.memref_slice %arg2[%add3A_110, %dma_start3A_111] : memref<4096x2048xf32, #tpu.memory_space<hbm>> -> memref<8x2048xf32, #tpu.memory_space<hbm>>
    %dma_start3A_113 = arith.constant 0 : i32
    %dma_start3A_114 = tpu.memref_slice %arg2[%add3A_110, %dma_start3A_113] : memref<4096x2048xf32, #tpu.memory_space<hbm>> -> memref<8x2048xf32, #tpu.memory_space<hbm>>
    tpu.enqueue_dma source(%dma_start3A_114 : memref<8x2048xf32, #tpu.memory_space<hbm>>) target(%arg4 : memref<8x2048xf32, #tpu.memory_space<vmem>>) target_semaphore(%arg8 : memref<!tpu.dma_semaphore, #tpu.memory_space<semaphore_mem>>)
    %dma_wait3A_115 = arith.constant 0 : i32
    %dma_wait3A_116 = tpu.memref_slice %arg2[%add3A_84, %dma_wait3A_115] : memref<4096x2048xf32, #tpu.memory_space<hbm>> -> memref<8x2048xf32, #tpu.memory_space<hbm>>
    %dma_wait3A_117 = arith.constant 0 : i32
    %dma_wait3A_118 = tpu.memref_slice %arg2[%add3A_84, %dma_wait3A_117] : memref<4096x2048xf32, #tpu.memory_space<hbm>> -> memref<8x2048xf32, #tpu.memory_space<hbm>>
    tpu.wait_dma2 semaphore(%arg9 : memref<!tpu.dma_semaphore, #tpu.memory_space<semaphore_mem>>) src(%dma_wait3A_118 : memref<8x2048xf32, #tpu.memory_space<hbm>>) dst(%arg5 : memref<8x2048xf32, #tpu.memory_space<vmem>>)
    %parallel_loop3A_119 = arith.constant 0 : i32
    %parallel_loop3A_120 = arith.constant 1024 : i32
    %parallel_loop3A_121 = arith.constant 1 : i32
    scf.for %parallel_loop3A_214 = %parallel_loop3A_119 to %parallel_loop3A_120 step %parallel_loop3A_121  : i32 {
      %parallel_loop3A_215 = arith.constant 7 : i32
      %parallel_loop3A_216 = arith.shrsi %parallel_loop3A_214, %parallel_loop3A_215 : i32
      %parallel_loop3A_217 = arith.constant 127 : i32
      %parallel_loop3A_218 = arith.andi %parallel_loop3A_214, %parallel_loop3A_217 : i32
      %parallel_loop3A_219 = arith.constant 16 : i32
      %parallel_loop3A_220 = arith.muli %parallel_loop3A_218, %parallel_loop3A_219 : i32
      %parallel_loop3A_221 = arith.index_cast %parallel_loop3A_216 : i32 to index
      %parallel_loop3A_222 = arith.index_cast %parallel_loop3A_220 : i32 to index
      %parallel_loop3A_223 = tpu.vector_load %arg5[%parallel_loop3A_221, %parallel_loop3A_222] {strides = array<i32>} : memref<8x2048xf32, #tpu.memory_space<vmem>>, vector<16xf32>,
      %parallel_loop3A_224 = vector.bitcast %parallel_loop3A_223 : vector<16xf32> to vector<16xi32>
      %parallel_loop3A_225 = arith.constant 16 : i32
      %parallel_loop3A_226 = vector.broadcast %parallel_loop3A_225 : i32 to vector<16xi32>
      %parallel_loop3A_227 = arith.shrui %parallel_loop3A_224, %parallel_loop3A_226 : vector<16xi32>
      tpu.vector_store_idx %arg7[%parallel_loop3A_227], %broadcast_in_dim3A_3 {add = true} : memref<65536xi32, #tpu.memory_space<vmem>>[vector<16xi32>], vector<16xi32>,
    } {sc.loop_unroll_factor = 16 : i64, sc.parallel_access}
    %add3A_122 = arith.constant 80 : i32
    %add3A_123 = arith.addi %mul3A_2, %add3A_122 : i32
    %dma_start3A_124 = arith.constant 0 : i32
    %dma_start3A_125 = tpu.memref_slice %arg2[%add3A_123, %dma_start3A_124] : memref<4096x2048xf32, #tpu.memory_space<hbm>> -> memref<8x2048xf32, #tpu.memory_space<hbm>>
    %dma_start3A_126 = arith.constant 0 : i32
    %dma_start3A_127 = tpu.memref_slice %arg2[%add3A_123, %dma_start3A_126] : memref<4096x2048xf32, #tpu.memory_space<hbm>> -> memref<8x2048xf32, #tpu.memory_space<hbm>>
    tpu.enqueue_dma source(%dma_start3A_127 : memref<8x2048xf32, #tpu.memory_space<hbm>>) target(%arg5 : memref<8x2048xf32, #tpu.memory_space<vmem>>) target_semaphore(%arg9 : memref<!tpu.dma_semaphore, #tpu.memory_space<semaphore_mem>>)
    %dma_wait3A_128 = arith.constant 0 : i32
    %dma_wait3A_129 = tpu.memref_slice %arg2[%add3A_97, %dma_wait3A_128] : memref<4096x2048xf32, #tpu.memory_space<hbm>> -> memref<8x2048xf32, #tpu.memory_space<hbm>>
    %dma_wait3A_130 = arith.constant 0 : i32
    %dma_wait3A_131 = tpu.memref_slice %arg2[%add3A_97, %dma_wait3A_130] : memref<4096x2048xf32, #tpu.memory_space<hbm>> -> memref<8x2048xf32, #tpu.memory_space<hbm>>
    tpu.wait_dma2 semaphore(%arg10 : memref<!tpu.dma_semaphore, #tpu.memory_space<semaphore_mem>>) src(%dma_wait3A_131 : memref<8x2048xf32, #tpu.memory_space<hbm>>) dst(%arg6 : memref<8x2048xf32, #tpu.memory_space<vmem>>)
    %parallel_loop3A_132 = arith.constant 0 : i32
    %parallel_loop3A_133 = arith.constant 1024 : i32
    %parallel_loop3A_134 = arith.constant 1 : i32
    scf.for %parallel_loop3A_214 = %parallel_loop3A_132 to %parallel_loop3A_133 step %parallel_loop3A_134  : i32 {
      %parallel_loop3A_215 = arith.constant 7 : i32
      %parallel_loop3A_216 = arith.shrsi %parallel_loop3A_214, %parallel_loop3A_215 : i32
      %parallel_loop3A_217 = arith.constant 127 : i32
      %parallel_loop3A_218 = arith.andi %parallel_loop3A_214, %parallel_loop3A_217 : i32
      %parallel_loop3A_219 = arith.constant 16 : i32
      %parallel_loop3A_220 = arith.muli %parallel_loop3A_218, %parallel_loop3A_219 : i32
      %parallel_loop3A_221 = arith.index_cast %parallel_loop3A_216 : i32 to index
      %parallel_loop3A_222 = arith.index_cast %parallel_loop3A_220 : i32 to index
      %parallel_loop3A_223 = tpu.vector_load %arg6[%parallel_loop3A_221, %parallel_loop3A_222] {strides = array<i32>} : memref<8x2048xf32, #tpu.memory_space<vmem>>, vector<16xf32>,
      %parallel_loop3A_224 = vector.bitcast %parallel_loop3A_223 : vector<16xf32> to vector<16xi32>
      %parallel_loop3A_225 = arith.constant 16 : i32
      %parallel_loop3A_226 = vector.broadcast %parallel_loop3A_225 : i32 to vector<16xi32>
      %parallel_loop3A_227 = arith.shrui %parallel_loop3A_224, %parallel_loop3A_226 : vector<16xi32>
      tpu.vector_store_idx %arg7[%parallel_loop3A_227], %broadcast_in_dim3A_3 {add = true} : memref<65536xi32, #tpu.memory_space<vmem>>[vector<16xi32>], vector<16xi32>,
    } {sc.loop_unroll_factor = 16 : i64, sc.parallel_access}
    %add3A_135 = arith.constant 88 : i32
    %add3A_136 = arith.addi %mul3A_2, %add3A_135 : i32
    %dma_start3A_137 = arith.constant 0 : i32
    %dma_start3A_138 = tpu.memref_slice %arg2[%add3A_136, %dma_start3A_137] : memref<4096x2048xf32, #tpu.memory_space<hbm>> -> memref<8x2048xf32, #tpu.memory_space<hbm>>
    %dma_start3A_139 = arith.constant 0 : i32
    %dma_start3A_140 = tpu.memref_slice %arg2[%add3A_136, %dma_start3A_139] : memref<4096x2048xf32, #tpu.memory_space<hbm>> -> memref<8x2048xf32, #tpu.memory_space<hbm>>
    tpu.enqueue_dma source(%dma_start3A_140 : memref<8x2048xf32, #tpu.memory_space<hbm>>) target(%arg6 : memref<8x2048xf32, #tpu.memory_space<vmem>>) target_semaphore(%arg10 : memref<!tpu.dma_semaphore, #tpu.memory_space<semaphore_mem>>)
    %dma_wait3A_141 = arith.constant 0 : i32
    %dma_wait3A_142 = tpu.memref_slice %arg2[%add3A_110, %dma_wait3A_141] : memref<4096x2048xf32, #tpu.memory_space<hbm>> -> memref<8x2048xf32, #tpu.memory_space<hbm>>
    %dma_wait3A_143 = arith.constant 0 : i32
    %dma_wait3A_144 = tpu.memref_slice %arg2[%add3A_110, %dma_wait3A_143] : memref<4096x2048xf32, #tpu.memory_space<hbm>> -> memref<8x2048xf32, #tpu.memory_space<hbm>>
    tpu.wait_dma2 semaphore(%arg8 : memref<!tpu.dma_semaphore, #tpu.memory_space<semaphore_mem>>) src(%dma_wait3A_144 : memref<8x2048xf32, #tpu.memory_space<hbm>>) dst(%arg4 : memref<8x2048xf32, #tpu.memory_space<vmem>>)
    %parallel_loop3A_145 = arith.constant 0 : i32
    %parallel_loop3A_146 = arith.constant 1024 : i32
    %parallel_loop3A_147 = arith.constant 1 : i32
    scf.for %parallel_loop3A_214 = %parallel_loop3A_145 to %parallel_loop3A_146 step %parallel_loop3A_147  : i32 {
      %parallel_loop3A_215 = arith.constant 7 : i32
      %parallel_loop3A_216 = arith.shrsi %parallel_loop3A_214, %parallel_loop3A_215 : i32
      %parallel_loop3A_217 = arith.constant 127 : i32
      %parallel_loop3A_218 = arith.andi %parallel_loop3A_214, %parallel_loop3A_217 : i32
      %parallel_loop3A_219 = arith.constant 16 : i32
      %parallel_loop3A_220 = arith.muli %parallel_loop3A_218, %parallel_loop3A_219 : i32
      %parallel_loop3A_221 = arith.index_cast %parallel_loop3A_216 : i32 to index
      %parallel_loop3A_222 = arith.index_cast %parallel_loop3A_220 : i32 to index
      %parallel_loop3A_223 = tpu.vector_load %arg4[%parallel_loop3A_221, %parallel_loop3A_222] {strides = array<i32>} : memref<8x2048xf32, #tpu.memory_space<vmem>>, vector<16xf32>,
      %parallel_loop3A_224 = vector.bitcast %parallel_loop3A_223 : vector<16xf32> to vector<16xi32>
      %parallel_loop3A_225 = arith.constant 16 : i32
      %parallel_loop3A_226 = vector.broadcast %parallel_loop3A_225 : i32 to vector<16xi32>
      %parallel_loop3A_227 = arith.shrui %parallel_loop3A_224, %parallel_loop3A_226 : vector<16xi32>
      tpu.vector_store_idx %arg7[%parallel_loop3A_227], %broadcast_in_dim3A_3 {add = true} : memref<65536xi32, #tpu.memory_space<vmem>>[vector<16xi32>], vector<16xi32>,
    } {sc.loop_unroll_factor = 16 : i64, sc.parallel_access}
    %add3A_148 = arith.constant 96 : i32
    %add3A_149 = arith.addi %mul3A_2, %add3A_148 : i32
    %dma_start3A_150 = arith.constant 0 : i32
    %dma_start3A_151 = tpu.memref_slice %arg2[%add3A_149, %dma_start3A_150] : memref<4096x2048xf32, #tpu.memory_space<hbm>> -> memref<8x2048xf32, #tpu.memory_space<hbm>>
    %dma_start3A_152 = arith.constant 0 : i32
    %dma_start3A_153 = tpu.memref_slice %arg2[%add3A_149, %dma_start3A_152] : memref<4096x2048xf32, #tpu.memory_space<hbm>> -> memref<8x2048xf32, #tpu.memory_space<hbm>>
    tpu.enqueue_dma source(%dma_start3A_153 : memref<8x2048xf32, #tpu.memory_space<hbm>>) target(%arg4 : memref<8x2048xf32, #tpu.memory_space<vmem>>) target_semaphore(%arg8 : memref<!tpu.dma_semaphore, #tpu.memory_space<semaphore_mem>>)
    %dma_wait3A_154 = arith.constant 0 : i32
    %dma_wait3A_155 = tpu.memref_slice %arg2[%add3A_123, %dma_wait3A_154] : memref<4096x2048xf32, #tpu.memory_space<hbm>> -> memref<8x2048xf32, #tpu.memory_space<hbm>>
    %dma_wait3A_156 = arith.constant 0 : i32
    %dma_wait3A_157 = tpu.memref_slice %arg2[%add3A_123, %dma_wait3A_156] : memref<4096x2048xf32, #tpu.memory_space<hbm>> -> memref<8x2048xf32, #tpu.memory_space<hbm>>
    tpu.wait_dma2 semaphore(%arg9 : memref<!tpu.dma_semaphore, #tpu.memory_space<semaphore_mem>>) src(%dma_wait3A_157 : memref<8x2048xf32, #tpu.memory_space<hbm>>) dst(%arg5 : memref<8x2048xf32, #tpu.memory_space<vmem>>)
    %parallel_loop3A_158 = arith.constant 0 : i32
    %parallel_loop3A_159 = arith.constant 1024 : i32
    %parallel_loop3A_160 = arith.constant 1 : i32
    scf.for %parallel_loop3A_214 = %parallel_loop3A_158 to %parallel_loop3A_159 step %parallel_loop3A_160  : i32 {
      %parallel_loop3A_215 = arith.constant 7 : i32
      %parallel_loop3A_216 = arith.shrsi %parallel_loop3A_214, %parallel_loop3A_215 : i32
      %parallel_loop3A_217 = arith.constant 127 : i32
      %parallel_loop3A_218 = arith.andi %parallel_loop3A_214, %parallel_loop3A_217 : i32
      %parallel_loop3A_219 = arith.constant 16 : i32
      %parallel_loop3A_220 = arith.muli %parallel_loop3A_218, %parallel_loop3A_219 : i32
      %parallel_loop3A_221 = arith.index_cast %parallel_loop3A_216 : i32 to index
      %parallel_loop3A_222 = arith.index_cast %parallel_loop3A_220 : i32 to index
      %parallel_loop3A_223 = tpu.vector_load %arg5[%parallel_loop3A_221, %parallel_loop3A_222] {strides = array<i32>} : memref<8x2048xf32, #tpu.memory_space<vmem>>, vector<16xf32>,
      %parallel_loop3A_224 = vector.bitcast %parallel_loop3A_223 : vector<16xf32> to vector<16xi32>
      %parallel_loop3A_225 = arith.constant 16 : i32
      %parallel_loop3A_226 = vector.broadcast %parallel_loop3A_225 : i32 to vector<16xi32>
      %parallel_loop3A_227 = arith.shrui %parallel_loop3A_224, %parallel_loop3A_226 : vector<16xi32>
      tpu.vector_store_idx %arg7[%parallel_loop3A_227], %broadcast_in_dim3A_3 {add = true} : memref<65536xi32, #tpu.memory_space<vmem>>[vector<16xi32>], vector<16xi32>,
    } {sc.loop_unroll_factor = 16 : i64, sc.parallel_access}
    %add3A_161 = arith.constant 104 : i32
    %add3A_162 = arith.addi %mul3A_2, %add3A_161 : i32
    %dma_start3A_163 = arith.constant 0 : i32
    %dma_start3A_164 = tpu.memref_slice %arg2[%add3A_162, %dma_start3A_163] : memref<4096x2048xf32, #tpu.memory_space<hbm>> -> memref<8x2048xf32, #tpu.memory_space<hbm>>
    %dma_start3A_165 = arith.constant 0 : i32
    %dma_start3A_166 = tpu.memref_slice %arg2[%add3A_162, %dma_start3A_165] : memref<4096x2048xf32, #tpu.memory_space<hbm>> -> memref<8x2048xf32, #tpu.memory_space<hbm>>
    tpu.enqueue_dma source(%dma_start3A_166 : memref<8x2048xf32, #tpu.memory_space<hbm>>) target(%arg5 : memref<8x2048xf32, #tpu.memory_space<vmem>>) target_semaphore(%arg9 : memref<!tpu.dma_semaphore, #tpu.memory_space<semaphore_mem>>)
    %dma_wait3A_167 = arith.constant 0 : i32
    %dma_wait3A_168 = tpu.memref_slice %arg2[%add3A_136, %dma_wait3A_167] : memref<4096x2048xf32, #tpu.memory_space<hbm>> -> memref<8x2048xf32, #tpu.memory_space<hbm>>
    %dma_wait3A_169 = arith.constant 0 : i32
    %dma_wait3A_170 = tpu.memref_slice %arg2[%add3A_136, %dma_wait3A_169] : memref<4096x2048xf32, #tpu.memory_space<hbm>> -> memref<8x2048xf32, #tpu.memory_space<hbm>>
    tpu.wait_dma2 semaphore(%arg10 : memref<!tpu.dma_semaphore, #tpu.memory_space<semaphore_mem>>) src(%dma_wait3A_170 : memref<8x2048xf32, #tpu.memory_space<hbm>>) dst(%arg6 : memref<8x2048xf32, #tpu.memory_space<vmem>>)
    %parallel_loop3A_171 = arith.constant 0 : i32
    %parallel_loop3A_172 = arith.constant 1024 : i32
    %parallel_loop3A_173 = arith.constant 1 : i32
    scf.for %parallel_loop3A_214 = %parallel_loop3A_171 to %parallel_loop3A_172 step %parallel_loop3A_173  : i32 {
      %parallel_loop3A_215 = arith.constant 7 : i32
      %parallel_loop3A_216 = arith.shrsi %parallel_loop3A_214, %parallel_loop3A_215 : i32
      %parallel_loop3A_217 = arith.constant 127 : i32
      %parallel_loop3A_218 = arith.andi %parallel_loop3A_214, %parallel_loop3A_217 : i32
      %parallel_loop3A_219 = arith.constant 16 : i32
      %parallel_loop3A_220 = arith.muli %parallel_loop3A_218, %parallel_loop3A_219 : i32
      %parallel_loop3A_221 = arith.index_cast %parallel_loop3A_216 : i32 to index
      %parallel_loop3A_222 = arith.index_cast %parallel_loop3A_220 : i32 to index
      %parallel_loop3A_223 = tpu.vector_load %arg6[%parallel_loop3A_221, %parallel_loop3A_222] {strides = array<i32>} : memref<8x2048xf32, #tpu.memory_space<vmem>>, vector<16xf32>,
      %parallel_loop3A_224 = vector.bitcast %parallel_loop3A_223 : vector<16xf32> to vector<16xi32>
      %parallel_loop3A_225 = arith.constant 16 : i32
      %parallel_loop3A_226 = vector.broadcast %parallel_loop3A_225 : i32 to vector<16xi32>
      %parallel_loop3A_227 = arith.shrui %parallel_loop3A_224, %parallel_loop3A_226 : vector<16xi32>
      tpu.vector_store_idx %arg7[%parallel_loop3A_227], %broadcast_in_dim3A_3 {add = true} : memref<65536xi32, #tpu.memory_space<vmem>>[vector<16xi32>], vector<16xi32>,
    } {sc.loop_unroll_factor = 16 : i64, sc.parallel_access}
    %add3A_174 = arith.constant 112 : i32
    %add3A_175 = arith.addi %mul3A_2, %add3A_174 : i32
    %dma_start3A_176 = arith.constant 0 : i32
    %dma_start3A_177 = tpu.memref_slice %arg2[%add3A_175, %dma_start3A_176] : memref<4096x2048xf32, #tpu.memory_space<hbm>> -> memref<8x2048xf32, #tpu.memory_space<hbm>>
    %dma_start3A_178 = arith.constant 0 : i32
    %dma_start3A_179 = tpu.memref_slice %arg2[%add3A_175, %dma_start3A_178] : memref<4096x2048xf32, #tpu.memory_space<hbm>> -> memref<8x2048xf32, #tpu.memory_space<hbm>>
    tpu.enqueue_dma source(%dma_start3A_179 : memref<8x2048xf32, #tpu.memory_space<hbm>>) target(%arg6 : memref<8x2048xf32, #tpu.memory_space<vmem>>) target_semaphore(%arg10 : memref<!tpu.dma_semaphore, #tpu.memory_space<semaphore_mem>>)
    %dma_wait3A_180 = arith.constant 0 : i32
    %dma_wait3A_181 = tpu.memref_slice %arg2[%add3A_149, %dma_wait3A_180] : memref<4096x2048xf32, #tpu.memory_space<hbm>> -> memref<8x2048xf32, #tpu.memory_space<hbm>>
    %dma_wait3A_182 = arith.constant 0 : i32
    %dma_wait3A_183 = tpu.memref_slice %arg2[%add3A_149, %dma_wait3A_182] : memref<4096x2048xf32, #tpu.memory_space<hbm>> -> memref<8x2048xf32, #tpu.memory_space<hbm>>
    tpu.wait_dma2 semaphore(%arg8 : memref<!tpu.dma_semaphore, #tpu.memory_space<semaphore_mem>>) src(%dma_wait3A_183 : memref<8x2048xf32, #tpu.memory_space<hbm>>) dst(%arg4 : memref<8x2048xf32, #tpu.memory_space<vmem>>)
    %parallel_loop3A_184 = arith.constant 0 : i32
    %parallel_loop3A_185 = arith.constant 1024 : i32
    %parallel_loop3A_186 = arith.constant 1 : i32
    scf.for %parallel_loop3A_214 = %parallel_loop3A_184 to %parallel_loop3A_185 step %parallel_loop3A_186  : i32 {
      %parallel_loop3A_215 = arith.constant 7 : i32
      %parallel_loop3A_216 = arith.shrsi %parallel_loop3A_214, %parallel_loop3A_215 : i32
      %parallel_loop3A_217 = arith.constant 127 : i32
      %parallel_loop3A_218 = arith.andi %parallel_loop3A_214, %parallel_loop3A_217 : i32
      %parallel_loop3A_219 = arith.constant 16 : i32
      %parallel_loop3A_220 = arith.muli %parallel_loop3A_218, %parallel_loop3A_219 : i32
      %parallel_loop3A_221 = arith.index_cast %parallel_loop3A_216 : i32 to index
      %parallel_loop3A_222 = arith.index_cast %parallel_loop3A_220 : i32 to index
      %parallel_loop3A_223 = tpu.vector_load %arg4[%parallel_loop3A_221, %parallel_loop3A_222] {strides = array<i32>} : memref<8x2048xf32, #tpu.memory_space<vmem>>, vector<16xf32>,
      %parallel_loop3A_224 = vector.bitcast %parallel_loop3A_223 : vector<16xf32> to vector<16xi32>
      %parallel_loop3A_225 = arith.constant 16 : i32
      %parallel_loop3A_226 = vector.broadcast %parallel_loop3A_225 : i32 to vector<16xi32>
      %parallel_loop3A_227 = arith.shrui %parallel_loop3A_224, %parallel_loop3A_226 : vector<16xi32>
      tpu.vector_store_idx %arg7[%parallel_loop3A_227], %broadcast_in_dim3A_3 {add = true} : memref<65536xi32, #tpu.memory_space<vmem>>[vector<16xi32>], vector<16xi32>,
    } {sc.loop_unroll_factor = 16 : i64, sc.parallel_access}
    %add3A_187 = arith.constant 120 : i32
    %add3A_188 = arith.addi %mul3A_2, %add3A_187 : i32
    %dma_start3A_189 = arith.constant 0 : i32
    %dma_start3A_190 = tpu.memref_slice %arg2[%add3A_188, %dma_start3A_189] : memref<4096x2048xf32, #tpu.memory_space<hbm>> -> memref<8x2048xf32, #tpu.memory_space<hbm>>
    %dma_start3A_191 = arith.constant 0 : i32
    %dma_start3A_192 = tpu.memref_slice %arg2[%add3A_188, %dma_start3A_191] : memref<4096x2048xf32, #tpu.memory_space<hbm>> -> memref<8x2048xf32, #tpu.memory_space<hbm>>
    tpu.enqueue_dma source(%dma_start3A_192 : memref<8x2048xf32, #tpu.memory_space<hbm>>) target(%arg4 : memref<8x2048xf32, #tpu.memory_space<vmem>>) target_semaphore(%arg8 : memref<!tpu.dma_semaphore, #tpu.memory_space<semaphore_mem>>)
    %dma_wait3A_193 = arith.constant 0 : i32
    %dma_wait3A_194 = tpu.memref_slice %arg2[%add3A_162, %dma_wait3A_193] : memref<4096x2048xf32, #tpu.memory_space<hbm>> -> memref<8x2048xf32, #tpu.memory_space<hbm>>
    %dma_wait3A_195 = arith.constant 0 : i32
    %dma_wait3A_196 = tpu.memref_slice %arg2[%add3A_162, %dma_wait3A_195] : memref<4096x2048xf32, #tpu.memory_space<hbm>> -> memref<8x2048xf32, #tpu.memory_space<hbm>>
    tpu.wait_dma2 semaphore(%arg9 : memref<!tpu.dma_semaphore, #tpu.memory_space<semaphore_mem>>) src(%dma_wait3A_196 : memref<8x2048xf32, #tpu.memory_space<hbm>>) dst(%arg5 : memref<8x2048xf32, #tpu.memory_space<vmem>>)
    %parallel_loop3A_197 = arith.constant 0 : i32
    %parallel_loop3A_198 = arith.constant 1024 : i32
    %parallel_loop3A_199 = arith.constant 1 : i32
    scf.for %parallel_loop3A_214 = %parallel_loop3A_197 to %parallel_loop3A_198 step %parallel_loop3A_199  : i32 {
      %parallel_loop3A_215 = arith.constant 7 : i32
      %parallel_loop3A_216 = arith.shrsi %parallel_loop3A_214, %parallel_loop3A_215 : i32
      %parallel_loop3A_217 = arith.constant 127 : i32
      %parallel_loop3A_218 = arith.andi %parallel_loop3A_214, %parallel_loop3A_217 : i32
      %parallel_loop3A_219 = arith.constant 16 : i32
      %parallel_loop3A_220 = arith.muli %parallel_loop3A_218, %parallel_loop3A_219 : i32
      %parallel_loop3A_221 = arith.index_cast %parallel_loop3A_216 : i32 to index
      %parallel_loop3A_222 = arith.index_cast %parallel_loop3A_220 : i32 to index
      %parallel_loop3A_223 = tpu.vector_load %arg5[%parallel_loop3A_221, %parallel_loop3A_222] {strides = array<i32>} : memref<8x2048xf32, #tpu.memory_space<vmem>>, vector<16xf32>,
      %parallel_loop3A_224 = vector.bitcast %parallel_loop3A_223 : vector<16xf32> to vector<16xi32>
      %parallel_loop3A_225 = arith.constant 16 : i32
      %parallel_loop3A_226 = vector.broadcast %parallel_loop3A_225 : i32 to vector<16xi32>
      %parallel_loop3A_227 = arith.shrui %parallel_loop3A_224, %parallel_loop3A_226 : vector<16xi32>
      tpu.vector_store_idx %arg7[%parallel_loop3A_227], %broadcast_in_dim3A_3 {add = true} : memref<65536xi32, #tpu.memory_space<vmem>>[vector<16xi32>], vector<16xi32>,
    } {sc.loop_unroll_factor = 16 : i64, sc.parallel_access}
    %dma_wait3A_200 = arith.constant 0 : i32
    %dma_wait3A_201 = tpu.memref_slice %arg2[%add3A_175, %dma_wait3A_200] : memref<4096x2048xf32, #tpu.memory_space<hbm>> -> memref<8x2048xf32, #tpu.memory_space<hbm>>
    %dma_wait3A_202 = arith.constant 0 : i32
    %dma_wait3A_203 = tpu.memref_slice %arg2[%add3A_175, %dma_wait3A_202] : memref<4096x2048xf32, #tpu.memory_space<hbm>> -> memref<8x2048xf32, #tpu.memory_space<hbm>>
    tpu.wait_dma2 semaphore(%arg10 : memref<!tpu.dma_semaphore, #tpu.memory_space<semaphore_mem>>) src(%dma_wait3A_203 : memref<8x2048xf32, #tpu.memory_space<hbm>>) dst(%arg6 : memref<8x2048xf32, #tpu.memory_space<vmem>>)
    %parallel_loop3A_204 = arith.constant 0 : i32
    %parallel_loop3A_205 = arith.constant 1024 : i32
    %parallel_loop3A_206 = arith.constant 1 : i32
    scf.for %parallel_loop3A_214 = %parallel_loop3A_204 to %parallel_loop3A_205 step %parallel_loop3A_206  : i32 {
      %parallel_loop3A_215 = arith.constant 7 : i32
      %parallel_loop3A_216 = arith.shrsi %parallel_loop3A_214, %parallel_loop3A_215 : i32
      %parallel_loop3A_217 = arith.constant 127 : i32
      %parallel_loop3A_218 = arith.andi %parallel_loop3A_214, %parallel_loop3A_217 : i32
      %parallel_loop3A_219 = arith.constant 16 : i32
      %parallel_loop3A_220 = arith.muli %parallel_loop3A_218, %parallel_loop3A_219 : i32
      %parallel_loop3A_221 = arith.index_cast %parallel_loop3A_216 : i32 to index
      %parallel_loop3A_222 = arith.index_cast %parallel_loop3A_220 : i32 to index
      %parallel_loop3A_223 = tpu.vector_load %arg6[%parallel_loop3A_221, %parallel_loop3A_222] {strides = array<i32>} : memref<8x2048xf32, #tpu.memory_space<vmem>>, vector<16xf32>,
      %parallel_loop3A_224 = vector.bitcast %parallel_loop3A_223 : vector<16xf32> to vector<16xi32>
      %parallel_loop3A_225 = arith.constant 16 : i32
      %parallel_loop3A_226 = vector.broadcast %parallel_loop3A_225 : i32 to vector<16xi32>
      %parallel_loop3A_227 = arith.shrui %parallel_loop3A_224, %parallel_loop3A_226 : vector<16xi32>
      tpu.vector_store_idx %arg7[%parallel_loop3A_227], %broadcast_in_dim3A_3 {add = true} : memref<65536xi32, #tpu.memory_space<vmem>>[vector<16xi32>], vector<16xi32>,
    } {sc.loop_unroll_factor = 16 : i64, sc.parallel_access}
    %dma_wait3A_207 = arith.constant 0 : i32
    %dma_wait3A_208 = tpu.memref_slice %arg2[%add3A_188, %dma_wait3A_207] : memref<4096x2048xf32, #tpu.memory_space<hbm>> -> memref<8x2048xf32, #tpu.memory_space<hbm>>
    %dma_wait3A_209 = arith.constant 0 : i32
    %dma_wait3A_210 = tpu.memref_slice %arg2[%add3A_188, %dma_wait3A_209] : memref<4096x2048xf32, #tpu.memory_space<hbm>> -> memref<8x2048xf32, #tpu.memory_space<hbm>>
    tpu.wait_dma2 semaphore(%arg8 : memref<!tpu.dma_semaphore, #tpu.memory_space<semaphore_mem>>) src(%dma_wait3A_210 : memref<8x2048xf32, #tpu.memory_space<hbm>>) dst(%arg4 : memref<8x2048xf32, #tpu.memory_space<vmem>>)
    %parallel_loop3A_211 = arith.constant 0 : i32
    %parallel_loop3A_212 = arith.constant 1024 : i32
    %parallel_loop3A_213 = arith.constant 1 : i32
    scf.for %parallel_loop3A_214 = %parallel_loop3A_211 to %parallel_loop3A_212 step %parallel_loop3A_213  : i32 {
      %parallel_loop3A_215 = arith.constant 7 : i32
      %parallel_loop3A_216 = arith.shrsi %parallel_loop3A_214, %parallel_loop3A_215 : i32
      %parallel_loop3A_217 = arith.constant 127 : i32
      %parallel_loop3A_218 = arith.andi %parallel_loop3A_214, %parallel_loop3A_217 : i32
      %parallel_loop3A_219 = arith.constant 16 : i32
      %parallel_loop3A_220 = arith.muli %parallel_loop3A_218, %parallel_loop3A_219 : i32
      %parallel_loop3A_221 = arith.index_cast %parallel_loop3A_216 : i32 to index
      %parallel_loop3A_222 = arith.index_cast %parallel_loop3A_220 : i32 to index
      %parallel_loop3A_223 = tpu.vector_load %arg4[%parallel_loop3A_221, %parallel_loop3A_222] {strides = array<i32>} : memref<8x2048xf32, #tpu.memory_space<vmem>>, vector<16xf32>,
      %parallel_loop3A_224 = vector.bitcast %parallel_loop3A_223 : vector<16xf32> to vector<16xi32>
      %parallel_loop3A_225 = arith.constant 16 : i32
      %parallel_loop3A_226 = vector.broadcast %parallel_loop3A_225 : i32 to vector<16xi32>
      %parallel_loop3A_227 = arith.shrui %parallel_loop3A_224, %parallel_loop3A_226 : vector<16xi32>
      tpu.vector_store_idx %arg7[%parallel_loop3A_227], %broadcast_in_dim3A_3 {add = true} : memref<65536xi32, #tpu.memory_space<vmem>>[vector<16xi32>], vector<16xi32>,
    } {sc.loop_unroll_factor = 16 : i64, sc.parallel_access}
    "tpu.region"() ({
      %run_scoped3A = tpu.sem_alloc : memref<!tpu.dma_semaphore, #tpu.memory_space<semaphore_mem>>
      %dma_start3A_214 = arith.constant 0 : i32
      %dma_start3A_215 = tpu.memref_slice %arg3[%add3A, %dma_start3A_214] : memref<32x65536xi32, #tpu.memory_space<hbm>> -> memref<1x65536xi32, #tpu.memory_space<hbm>>
      %dma_start3A_216 = tpu.memref_squeeze %dma_start3A_215 : memref<1x65536xi32, #tpu.memory_space<hbm>> -> memref<65536xi32, #tpu.memory_space<hbm>>
      %dma_start3A_217 = arith.constant 0 : i32
      %dma_start3A_218 = tpu.memref_slice %arg3[%add3A, %dma_start3A_217] : memref<32x65536xi32, #tpu.memory_space<hbm>> -> memref<1x65536xi32, #tpu.memory_space<hbm>>
      %dma_start3A_219 = tpu.memref_squeeze %dma_start3A_218 : memref<1x65536xi32, #tpu.memory_space<hbm>> -> memref<65536xi32, #tpu.memory_space<hbm>>
      tpu.enqueue_dma source(%arg7 : memref<65536xi32, #tpu.memory_space<vmem>>) target(%dma_start3A_219 : memref<65536xi32, #tpu.memory_space<hbm>>) target_semaphore(%run_scoped3A : memref<!tpu.dma_semaphore, #tpu.memory_space<semaphore_mem>>)
      %dma_wait3A_220 = arith.constant 0 : i32
      %dma_wait3A_221 = tpu.memref_slice %arg3[%add3A, %dma_wait3A_220] : memref<32x65536xi32, #tpu.memory_space<hbm>> -> memref<1x65536xi32, #tpu.memory_space<hbm>>
      %dma_wait3A_222 = tpu.memref_squeeze %dma_wait3A_221 : memref<1x65536xi32, #tpu.memory_space<hbm>> -> memref<65536xi32, #tpu.memory_space<hbm>>
      %dma_wait3A_223 = arith.constant 0 : i32
      %dma_wait3A_224 = tpu.memref_slice %arg3[%add3A, %dma_wait3A_223] : memref<32x65536xi32, #tpu.memory_space<hbm>> -> memref<1x65536xi32, #tpu.memory_space<hbm>>
      %dma_wait3A_225 = tpu.memref_squeeze %dma_wait3A_224 : memref<1x65536xi32, #tpu.memory_space<hbm>> -> memref<65536xi32, #tpu.memory_space<hbm>>
      tpu.wait_dma2 semaphore(%run_scoped3A : memref<!tpu.dma_semaphore, #tpu.memory_space<semaphore_mem>>) src(%arg7 : memref<65536xi32, #tpu.memory_space<vmem>>) dst(%dma_wait3A_225 : memref<65536xi32, #tpu.memory_space<hbm>>)
      tpu.yield
    }) : () -> ()
    return
  }
}

module attributes {stable_mosaic.version = 14 : i64} {
  func.func @_norm_body(%arg0: i32, %arg1: memref<32x65536xi32, #tpu.memory_space<vmem>>, %arg2: memref<1x1xf32, #tpu.memory_space<vmem>>, %arg3: memref<256x2048xf32, #tpu.memory_space<vmem>>, %arg4: memref<256x2048xf32, #tpu.memory_space<vmem>>, %arg5: memref<1x1xf32, #tpu.memory_space<vmem>>) attributes {dimension_semantics = [#tpu.dimension_semantics<arbitrary>], iteration_bounds = array<i64: 16>, scalar_prefetch = 0 : i64, scratch_operands = 1 : i64, tpu.core_type = #tpu.core_type<tc>, window_params = [{pipeline_mode = #tpu.pipeline_mode<synchronous>, transform_indices = @transform_0, window_bounds = array<i64: 32, 65536>}, {pipeline_mode = #tpu.pipeline_mode<synchronous>, transform_indices = @transform_1, window_bounds = array<i64: 1, 1>}, {transform_indices = @transform_2, window_bounds = array<i64: 256, 2048>}, {transform_indices = @transform_3, window_bounds = array<i64: 256, 2048>}]} {
    %eq3A = arith.constant 0 : i32
    %eq3A_0 = arith.cmpi eq, %arg0, %eq3A : i32
    %convert_element_type3A = arith.extui %eq3A_0 : i1 to i32
    %cond3A = arith.constant 0 : i32
    %cond3A_1 = arith.cmpi ne, %convert_element_type3A, %cond3A : i32
    scf.if %cond3A_1 {
      %get3A_10 = arith.constant 0 : index
      %get3A_11 = arith.constant 0 : index
      %get3A_12 = vector.load %arg1[%get3A_10, %get3A_11] : memref<32x65536xi32, #tpu.memory_space<vmem>>, vector<32x65536xi32>
      %convert_element_type3A_13 = arith.sitofp %get3A_12 : vector<32x65536xi32> to vector<32x65536xf32>
      %reduce_sum3A = arith.constant dense<0.000000e+00> : vector<65536xf32>
      %reduce_sum3A_14 = vector.multi_reduction <add>, %convert_element_type3A_13, %reduce_sum3A [0] : vector<32x65536xf32> to vector<65536xf32>
      %reshape3A = vector.shape_cast %reduce_sum3A_14 : vector<65536xf32> to vector<512x128xf32>
      %slice3A = vector.extract_strided_slice %reshape3A {offsets = [0, 0], sizes = [256, 128], strides = [1, 1]} : vector<512x128xf32> to vector<256x128xf32>
      %iota3A = tpu.iota {dimensions = array<i32: 0>} : vector<128x128xi32>
      %iota3A_15 = tpu.iota {dimensions = array<i32: 1>} : vector<128x128xi32>
      %le3A = arith.cmpi sle, %iota3A, %iota3A_15 : vector<128x128xi32>
      %convert_element_type3A_16 = arith.extui %le3A : vector<128x128xi1> to vector<128x128xi32>
      %convert_element_type3A_17 = arith.sitofp %convert_element_type3A_16 : vector<128x128xi32> to vector<128x128xf32>
      %dot_general3A = arith.constant dense<0.000000e+00> : vector<256x128xf32>
      %dot_general3A_18 = tpu.matmul %slice3A, %convert_element_type3A_17, %dot_general3A {dimension_numbers = #tpu.dot_dimension_numbers<[1], [0], [0], [1], [0, 0, 1, 1], [], []>, transpose_lhs_hint = false} : vector<256x128xf32>, vector<128x128xf32>, vector<256x128xf32> -> vector<256x128xf32>
      %slice3A_19 = vector.extract_strided_slice %dot_general3A_18 {offsets = [0, 127], sizes = [256, 1], strides = [1, 1]} : vector<256x128xf32> to vector<256x1xf32>
      %iota3A_20 = tpu.iota {dimensions = array<i32: 0>} : vector<256x256xi32>
      %iota3A_21 = tpu.iota {dimensions = array<i32: 1>} : vector<256x256xi32>
      %gt3A = arith.cmpi sgt, %iota3A_20, %iota3A_21 : vector<256x256xi32>
      %convert_element_type3A_22 = arith.extui %gt3A : vector<256x256xi1> to vector<256x256xi32>
      %convert_element_type3A_23 = arith.sitofp %convert_element_type3A_22 : vector<256x256xi32> to vector<256x256xf32>
      %dot_general3A_24 = arith.constant dense<0.000000e+00> : vector<256x1xf32>
      %dot_general3A_25 = tpu.matmul %convert_element_type3A_23, %slice3A_19, %dot_general3A_24 {dimension_numbers = #tpu.dot_dimension_numbers<[1], [0], [0], [1], [0, 0, 1, 1], [], []>, transpose_lhs_hint = false} : vector<256x256xf32>, vector<256x1xf32>, vector<256x1xf32> -> vector<256x1xf32>
      %add3A = vector.broadcast %dot_general3A_25 : vector<256x1xf32> to vector<256x128xf32>
      %add3A_26 = arith.addf %dot_general3A_18, %add3A : vector<256x128xf32>
      %slice3A_27 = vector.extract_strided_slice %reshape3A {offsets = [256, 0], sizes = [256, 128], strides = [1, 1]} : vector<512x128xf32> to vector<256x128xf32>
      %iota3A_28 = tpu.iota {dimensions = array<i32: 0>} : vector<128x128xi32>
      %iota3A_29 = tpu.iota {dimensions = array<i32: 1>} : vector<128x128xi32>
      %le3A_30 = arith.cmpi sle, %iota3A_28, %iota3A_29 : vector<128x128xi32>
      %convert_element_type3A_31 = arith.extui %le3A_30 : vector<128x128xi1> to vector<128x128xi32>
      %convert_element_type3A_32 = arith.sitofp %convert_element_type3A_31 : vector<128x128xi32> to vector<128x128xf32>
      %dot_general3A_33 = arith.constant dense<0.000000e+00> : vector<256x128xf32>
      %dot_general3A_34 = tpu.matmul %slice3A_27, %convert_element_type3A_32, %dot_general3A_33 {dimension_numbers = #tpu.dot_dimension_numbers<[1], [0], [0], [1], [0, 0, 1, 1], [], []>, transpose_lhs_hint = false} : vector<256x128xf32>, vector<128x128xf32>, vector<256x128xf32> -> vector<256x128xf32>
      %slice3A_35 = vector.extract_strided_slice %dot_general3A_34 {offsets = [0, 127], sizes = [256, 1], strides = [1, 1]} : vector<256x128xf32> to vector<256x1xf32>
      %iota3A_36 = tpu.iota {dimensions = array<i32: 0>} : vector<256x256xi32>
      %iota3A_37 = tpu.iota {dimensions = array<i32: 1>} : vector<256x256xi32>
      %gt3A_38 = arith.cmpi sgt, %iota3A_36, %iota3A_37 : vector<256x256xi32>
      %convert_element_type3A_39 = arith.extui %gt3A_38 : vector<256x256xi1> to vector<256x256xi32>
      %convert_element_type3A_40 = arith.sitofp %convert_element_type3A_39 : vector<256x256xi32> to vector<256x256xf32>
      %dot_general3A_41 = arith.constant dense<0.000000e+00> : vector<256x1xf32>
      %dot_general3A_42 = tpu.matmul %convert_element_type3A_40, %slice3A_35, %dot_general3A_41 {dimension_numbers = #tpu.dot_dimension_numbers<[1], [0], [0], [1], [0, 0, 1, 1], [], []>, transpose_lhs_hint = false} : vector<256x256xf32>, vector<256x1xf32>, vector<256x1xf32> -> vector<256x1xf32>
      %add3A_43 = vector.broadcast %dot_general3A_42 : vector<256x1xf32> to vector<256x128xf32>
      %add3A_44 = arith.addf %dot_general3A_34, %add3A_43 : vector<256x128xf32>
      %slice3A_45 = vector.extract_strided_slice %add3A_44 {offsets = [255, 127], sizes = [1, 1], strides = [1, 1]} : vector<256x128xf32> to vector<1x1xf32>
      %squeeze3A = vector.extract %slice3A_45[0, 0] : f32 from vector<1x1xf32>
      %sub3A = vector.broadcast %squeeze3A : f32 to vector<256x128xf32>
      %sub3A_46 = arith.subf %sub3A, %add3A_44 : vector<256x128xf32>
      %gt3A_47 = arith.constant 4.194300e+05 : f32
      %gt3A_48 = vector.broadcast %gt3A_47 : f32 to vector<256x128xf32>
      %gt3A_49 = arith.cmpf ogt, %sub3A_46, %gt3A_48 : vector<256x128xf32>
      %convert_element_type3A_50 = arith.extui %gt3A_49 : vector<256x128xi1> to vector<256x128xi32>
      %convert_element_type3A_51 = arith.sitofp %convert_element_type3A_50 : vector<256x128xi32> to vector<256x128xf32>
      %reduce_sum3A_52 = vector.shape_cast %convert_element_type3A_51 : vector<256x128xf32> to vector<1x256x128xf32>
      %reduce_sum3A_53 = arith.constant dense<0.000000e+00> : vector<1xf32>
      %reduce_sum3A_54 = vector.multi_reduction <add>, %reduce_sum3A_52, %reduce_sum3A_53 [1, 2] : vector<1x256x128xf32> to vector<1xf32>
      %reduce_sum3A_55 = vector.shape_cast %reduce_sum3A_54 : vector<1xf32> to vector<1x1x1xf32>
      %reduce_sum3A_56 = vector.extract %reduce_sum3A_55[0, 0, 0] : f32 from vector<1x1x1xf32>
      %add3A_57 = vector.broadcast %squeeze3A : f32 to vector<256x128xf32>
      %add3A_58 = arith.addf %add3A_57, %add3A_26 : vector<256x128xf32>
      %le3A_59 = arith.constant 4.194300e+05 : f32
      %le3A_60 = vector.broadcast %le3A_59 : f32 to vector<256x128xf32>
      %le3A_61 = arith.cmpf ole, %add3A_58, %le3A_60 : vector<256x128xf32>
      %convert_element_type3A_62 = arith.extui %le3A_61 : vector<256x128xi1> to vector<256x128xi32>
      %convert_element_type3A_63 = arith.sitofp %convert_element_type3A_62 : vector<256x128xi32> to vector<256x128xf32>
      %reduce_sum3A_64 = vector.shape_cast %convert_element_type3A_63 : vector<256x128xf32> to vector<1x256x128xf32>
      %reduce_sum3A_65 = arith.constant dense<0.000000e+00> : vector<1xf32>
      %reduce_sum3A_66 = vector.multi_reduction <add>, %reduce_sum3A_64, %reduce_sum3A_65 [1, 2] : vector<1x256x128xf32> to vector<1xf32>
      %reduce_sum3A_67 = vector.shape_cast %reduce_sum3A_66 : vector<1xf32> to vector<1x1x1xf32>
      %reduce_sum3A_68 = vector.extract %reduce_sum3A_67[0, 0, 0] : f32 from vector<1x1x1xf32>
      %lt3A = arith.constant 4.194300e+05 : f32
      %lt3A_69 = arith.cmpf olt, %lt3A, %squeeze3A : f32
      %add3A_70 = arith.constant 3.276800e+04 : f32
      %add3A_71 = arith.addf %add3A_70, %reduce_sum3A_56 : f32
      %select_n3A = arith.select %lt3A_69, %add3A_71, %reduce_sum3A_68 : f32
      %convert_element_type3A_72 = arith.fptosi %select_n3A : f32 to i32
      %shift_left3A = arith.constant 16 : i32
      %shift_left3A_73 = arith.shli %convert_element_type3A_72, %shift_left3A : i32
      %or3A = arith.constant 32768 : i32
      %or3A_74 = arith.ori %shift_left3A_73, %or3A : i32
      %bitcast_convert_type3A = arith.bitcast %or3A_74 : i32 to f32
      %mul3A_75 = arith.constant 6.500000e-01 : f32
      %mul3A_76 = arith.mulf %bitcast_convert_type3A, %mul3A_75 : f32
      %sub3A_77 = vector.broadcast %squeeze3A : f32 to vector<256x128xf32>
      %sub3A_78 = arith.subf %sub3A_77, %add3A_44 : vector<256x128xf32>
      %gt3A_79 = arith.constant 4.194310e+05 : f32
      %gt3A_80 = vector.broadcast %gt3A_79 : f32 to vector<256x128xf32>
      %gt3A_81 = arith.cmpf ogt, %sub3A_78, %gt3A_80 : vector<256x128xf32>
      %convert_element_type3A_82 = arith.extui %gt3A_81 : vector<256x128xi1> to vector<256x128xi32>
      %convert_element_type3A_83 = arith.sitofp %convert_element_type3A_82 : vector<256x128xi32> to vector<256x128xf32>
      %reduce_sum3A_84 = vector.shape_cast %convert_element_type3A_83 : vector<256x128xf32> to vector<1x256x128xf32>
      %reduce_sum3A_85 = arith.constant dense<0.000000e+00> : vector<1xf32>
      %reduce_sum3A_86 = vector.multi_reduction <add>, %reduce_sum3A_84, %reduce_sum3A_85 [1, 2] : vector<1x256x128xf32> to vector<1xf32>
      %reduce_sum3A_87 = vector.shape_cast %reduce_sum3A_86 : vector<1xf32> to vector<1x1x1xf32>
      %reduce_sum3A_88 = vector.extract %reduce_sum3A_87[0, 0, 0] : f32 from vector<1x1x1xf32>
      %add3A_89 = vector.broadcast %squeeze3A : f32 to vector<256x128xf32>
      %add3A_90 = arith.addf %add3A_89, %add3A_26 : vector<256x128xf32>
      %le3A_91 = arith.constant 4.194310e+05 : f32
      %le3A_92 = vector.broadcast %le3A_91 : f32 to vector<256x128xf32>
      %le3A_93 = arith.cmpf ole, %add3A_90, %le3A_92 : vector<256x128xf32>
      %convert_element_type3A_94 = arith.extui %le3A_93 : vector<256x128xi1> to vector<256x128xi32>
      %convert_element_type3A_95 = arith.sitofp %convert_element_type3A_94 : vector<256x128xi32> to vector<256x128xf32>
      %reduce_sum3A_96 = vector.shape_cast %convert_element_type3A_95 : vector<256x128xf32> to vector<1x256x128xf32>
      %reduce_sum3A_97 = arith.constant dense<0.000000e+00> : vector<1xf32>
      %reduce_sum3A_98 = vector.multi_reduction <add>, %reduce_sum3A_96, %reduce_sum3A_97 [1, 2] : vector<1x256x128xf32> to vector<1xf32>
      %reduce_sum3A_99 = vector.shape_cast %reduce_sum3A_98 : vector<1xf32> to vector<1x1x1xf32>
      %reduce_sum3A_100 = vector.extract %reduce_sum3A_99[0, 0, 0] : f32 from vector<1x1x1xf32>
      %lt3A_101 = arith.constant 4.194310e+05 : f32
      %lt3A_102 = arith.cmpf olt, %lt3A_101, %squeeze3A : f32
      %add3A_103 = arith.constant 3.276800e+04 : f32
      %add3A_104 = arith.addf %add3A_103, %reduce_sum3A_88 : f32
      %select_n3A_105 = arith.select %lt3A_102, %add3A_104, %reduce_sum3A_100 : f32
      %convert_element_type3A_106 = arith.fptosi %select_n3A_105 : f32 to i32
      %shift_left3A_107 = arith.constant 16 : i32
      %shift_left3A_108 = arith.shli %convert_element_type3A_106, %shift_left3A_107 : i32
      %or3A_109 = arith.constant 32768 : i32
      %or3A_110 = arith.ori %shift_left3A_108, %or3A_109 : i32
      %bitcast_convert_type3A_111 = arith.bitcast %or3A_110 : i32 to f32
      %mul3A_112 = arith.constant 3.500000e-01 : f32
      %mul3A_113 = arith.mulf %bitcast_convert_type3A_111, %mul3A_112 : f32
      %add3A_114 = arith.addf %mul3A_76, %mul3A_113 : f32
      %sub3A_115 = vector.broadcast %squeeze3A : f32 to vector<256x128xf32>
      %sub3A_116 = arith.subf %sub3A_115, %add3A_44 : vector<256x128xf32>
      %gt3A_117 = arith.constant 0x4AF33330 : f32
      %gt3A_118 = vector.broadcast %gt3A_117 : f32 to vector<256x128xf32>
      %gt3A_119 = arith.cmpf ogt, %sub3A_116, %gt3A_118 : vector<256x128xf32>
      %convert_element_type3A_120 = arith.extui %gt3A_119 : vector<256x128xi1> to vector<256x128xi32>
      %convert_element_type3A_121 = arith.sitofp %convert_element_type3A_120 : vector<256x128xi32> to vector<256x128xf32>
      %reduce_sum3A_122 = vector.shape_cast %convert_element_type3A_121 : vector<256x128xf32> to vector<1x256x128xf32>
      %reduce_sum3A_123 = arith.constant dense<0.000000e+00> : vector<1xf32>
      %reduce_sum3A_124 = vector.multi_reduction <add>, %reduce_sum3A_122, %reduce_sum3A_123 [1, 2] : vector<1x256x128xf32> to vector<1xf32>
      %reduce_sum3A_125 = vector.shape_cast %reduce_sum3A_124 : vector<1xf32> to vector<1x1x1xf32>
      %reduce_sum3A_126 = vector.extract %reduce_sum3A_125[0, 0, 0] : f32 from vector<1x1x1xf32>
      %add3A_127 = vector.broadcast %squeeze3A : f32 to vector<256x128xf32>
      %add3A_128 = arith.addf %add3A_127, %add3A_26 : vector<256x128xf32>
      %le3A_129 = arith.constant 0x4AF33330 : f32
      %le3A_130 = vector.broadcast %le3A_129 : f32 to vector<256x128xf32>
      %le3A_131 = arith.cmpf ole, %add3A_128, %le3A_130 : vector<256x128xf32>
      %convert_element_type3A_132 = arith.extui %le3A_131 : vector<256x128xi1> to vector<256x128xi32>
      %convert_element_type3A_133 = arith.sitofp %convert_element_type3A_132 : vector<256x128xi32> to vector<256x128xf32>
      %reduce_sum3A_134 = vector.shape_cast %convert_element_type3A_133 : vector<256x128xf32> to vector<1x256x128xf32>
      %reduce_sum3A_135 = arith.constant dense<0.000000e+00> : vector<1xf32>
      %reduce_sum3A_136 = vector.multi_reduction <add>, %reduce_sum3A_134, %reduce_sum3A_135 [1, 2] : vector<1x256x128xf32> to vector<1xf32>
      %reduce_sum3A_137 = vector.shape_cast %reduce_sum3A_136 : vector<1xf32> to vector<1x1x1xf32>
      %reduce_sum3A_138 = vector.extract %reduce_sum3A_137[0, 0, 0] : f32 from vector<1x1x1xf32>
      %lt3A_139 = arith.constant 0x4AF33330 : f32
      %lt3A_140 = arith.cmpf olt, %lt3A_139, %squeeze3A : f32
      %add3A_141 = arith.constant 3.276800e+04 : f32
      %add3A_142 = arith.addf %add3A_141, %reduce_sum3A_126 : f32
      %select_n3A_143 = arith.select %lt3A_140, %add3A_142, %reduce_sum3A_138 : f32
      %convert_element_type3A_144 = arith.fptosi %select_n3A_143 : f32 to i32
      %shift_left3A_145 = arith.constant 16 : i32
      %shift_left3A_146 = arith.shli %convert_element_type3A_144, %shift_left3A_145 : i32
      %or3A_147 = arith.constant 32768 : i32
      %or3A_148 = arith.ori %shift_left3A_146, %or3A_147 : i32
      %bitcast_convert_type3A_149 = arith.bitcast %or3A_148 : i32 to f32
      %mul3A_150 = arith.constant 3.500000e-01 : f32
      %mul3A_151 = arith.mulf %bitcast_convert_type3A_149, %mul3A_150 : f32
      %sub3A_152 = vector.broadcast %squeeze3A : f32 to vector<256x128xf32>
      %sub3A_153 = arith.subf %sub3A_152, %add3A_44 : vector<256x128xf32>
      %gt3A_154 = arith.constant 0x4AF33332 : f32
      %gt3A_155 = vector.broadcast %gt3A_154 : f32 to vector<256x128xf32>
      %gt3A_156 = arith.cmpf ogt, %sub3A_153, %gt3A_155 : vector<256x128xf32>
      %convert_element_type3A_157 = arith.extui %gt3A_156 : vector<256x128xi1> to vector<256x128xi32>
      %convert_element_type3A_158 = arith.sitofp %convert_element_type3A_157 : vector<256x128xi32> to vector<256x128xf32>
      %reduce_sum3A_159 = vector.shape_cast %convert_element_type3A_158 : vector<256x128xf32> to vector<1x256x128xf32>
      %reduce_sum3A_160 = arith.constant dense<0.000000e+00> : vector<1xf32>
      %reduce_sum3A_161 = vector.multi_reduction <add>, %reduce_sum3A_159, %reduce_sum3A_160 [1, 2] : vector<1x256x128xf32> to vector<1xf32>
      %reduce_sum3A_162 = vector.shape_cast %reduce_sum3A_161 : vector<1xf32> to vector<1x1x1xf32>
      %reduce_sum3A_163 = vector.extract %reduce_sum3A_162[0, 0, 0] : f32 from vector<1x1x1xf32>
      %add3A_164 = vector.broadcast %squeeze3A : f32 to vector<256x128xf32>
      %add3A_165 = arith.addf %add3A_164, %add3A_26 : vector<256x128xf32>
      %le3A_166 = arith.constant 0x4AF33332 : f32
      %le3A_167 = vector.broadcast %le3A_166 : f32 to vector<256x128xf32>
      %le3A_168 = arith.cmpf ole, %add3A_165, %le3A_167 : vector<256x128xf32>
      %convert_element_type3A_169 = arith.extui %le3A_168 : vector<256x128xi1> to vector<256x128xi32>
      %convert_element_type3A_170 = arith.sitofp %convert_element_type3A_169 : vector<256x128xi32> to vector<256x128xf32>
      %reduce_sum3A_171 = vector.shape_cast %convert_element_type3A_170 : vector<256x128xf32> to vector<1x256x128xf32>
      %reduce_sum3A_172 = arith.constant dense<0.000000e+00> : vector<1xf32>
      %reduce_sum3A_173 = vector.multi_reduction <add>, %reduce_sum3A_171, %reduce_sum3A_172 [1, 2] : vector<1x256x128xf32> to vector<1xf32>
      %reduce_sum3A_174 = vector.shape_cast %reduce_sum3A_173 : vector<1xf32> to vector<1x1x1xf32>
      %reduce_sum3A_175 = vector.extract %reduce_sum3A_174[0, 0, 0] : f32 from vector<1x1x1xf32>
      %lt3A_176 = arith.constant 0x4AF33332 : f32
      %lt3A_177 = arith.cmpf olt, %lt3A_176, %squeeze3A : f32
      %add3A_178 = arith.constant 3.276800e+04 : f32
      %add3A_179 = arith.addf %add3A_178, %reduce_sum3A_163 : f32
      %select_n3A_180 = arith.select %lt3A_177, %add3A_179, %reduce_sum3A_175 : f32
      %convert_element_type3A_181 = arith.fptosi %select_n3A_180 : f32 to i32
      %shift_left3A_182 = arith.constant 16 : i32
      %shift_left3A_183 = arith.shli %convert_element_type3A_181, %shift_left3A_182 : i32
      %or3A_184 = arith.constant 32768 : i32
      %or3A_185 = arith.ori %shift_left3A_183, %or3A_184 : i32
      %bitcast_convert_type3A_186 = arith.bitcast %or3A_185 : i32 to f32
      %mul3A_187 = arith.constant 6.500000e-01 : f32
      %mul3A_188 = arith.mulf %bitcast_convert_type3A_186, %mul3A_187 : f32
      %add3A_189 = arith.addf %mul3A_151, %mul3A_188 : f32
      %sub3A_190 = arith.subf %add3A_189, %add3A_114 : f32
      %get3A_191 = arith.constant 0 : index
      %get3A_192 = arith.constant 0 : index
      %get3A_193 = vector.load %arg2[%get3A_191, %get3A_192] : memref<1x1xf32, #tpu.memory_space<vmem>>, vector<1x1xf32>
      %mul3A_194 = arith.constant 9.900000e-01 : f32
      %mul3A_195 = vector.broadcast %mul3A_194 : f32 to vector<1x1xf32>
      %mul3A_196 = arith.mulf %mul3A_195, %get3A_193 : vector<1x1xf32>
      %mul3A_197 = arith.constant 0.00999999977 : f32
      %mul3A_198 = arith.mulf %mul3A_197, %sub3A_190 : f32
      %add3A_199 = vector.broadcast %mul3A_198 : f32 to vector<1x1xf32>
      %add3A_200 = arith.addf %mul3A_196, %add3A_199 : vector<1x1xf32>
      %max3A = arith.constant 1.000000e+00 : f32
      %max3A_201 = vector.broadcast %max3A : f32 to vector<1x1xf32>
      %max3A_202 = arith.maximumf %max3A_201, %add3A_200 : vector<1x1xf32>
      %div3A = arith.constant 1.000000e+00 : f32
      %div3A_203 = vector.broadcast %div3A : f32 to vector<1x1xf32>
      %div3A_204 = arith.divf %div3A_203, %max3A_202 : vector<1x1xf32>
      %swap3A_205 = arith.constant 0 : index
      %swap3A_206 = arith.constant 0 : index
      %swap3A_207 = vector.load %arg5[%swap3A_205, %swap3A_206] : memref<1x1xf32, #tpu.memory_space<vmem>>, vector<1x1xf32>
      tpu.vector_store %arg5[%swap3A_205, %swap3A_206], %div3A_204 {strides = array<i32>} : memref<1x1xf32, #tpu.memory_space<vmem>>, vector<1x1xf32>,
    } else {
    }
    %get3A = arith.constant 0 : index
    %get3A_2 = arith.constant 0 : index
    %get3A_3 = vector.load %arg3[%get3A, %get3A_2] : memref<256x2048xf32, #tpu.memory_space<vmem>>, vector<256x2048xf32>
    %get3A_4 = arith.constant 0 : index
    %get3A_5 = arith.constant 0 : index
    %get3A_6 = vector.load %arg5[%get3A_4, %get3A_5] : memref<1x1xf32, #tpu.memory_space<vmem>>, vector<1x1xf32>
    %mul3A = vector.broadcast %get3A_6 : vector<1x1xf32> to vector<256x2048xf32>
    %mul3A_7 = arith.mulf %get3A_3, %mul3A : vector<256x2048xf32>
    %swap3A = arith.constant 0 : index
    %swap3A_8 = arith.constant 0 : index
    %swap3A_9 = vector.load %arg4[%swap3A, %swap3A_8] : memref<256x2048xf32, #tpu.memory_space<vmem>>, vector<256x2048xf32>
    tpu.vector_store %arg4[%swap3A, %swap3A_8], %mul3A_7 {strides = array<i32>} : memref<256x2048xf32, #tpu.memory_space<vmem>>, vector<256x2048xf32>,
    return
  }
  func.func @transform_0(%arg0: i32) -> (i32, i32) {
    %c0_i32 = arith.constant 0 : i32
    %c0_i32_0 = arith.constant 0 : i32
    %c0_i32_1 = arith.constant 0 : i32
    return %c0_i32, %c0_i32_0 : i32, i32
  }
  func.func @transform_1(%arg0: i32) -> (i32, i32) {
    %c0_i32 = arith.constant 0 : i32
    %c0_i32_0 = arith.constant 0 : i32
    %c0_i32_1 = arith.constant 0 : i32
    return %c0_i32, %c0_i32_0 : i32, i32
  }
  func.func @transform_2(%arg0: i32) -> (i32, i32) {
    %c0_i32 = arith.constant 0 : i32
    %c0_i32_0 = arith.constant 0 : i32
    return %arg0, %c0_i32 : i32, i32
  }
  func.func @transform_3(%arg0: i32) -> (i32, i32) {
    %c0_i32 = arith.constant 0 : i32
    %c0_i32_0 = arith.constant 0 : i32
    return %arg0, %c0_i32 : i32, i32
  }
}

</mosaic_0001>

<sc_bundles>
// kernel: kernel.4.cloned.1.call-start
scs
__scs_entry_jumppad:
0x0: {  	(pc) =	sbr.rel $0x88, $3  }
0x1: {  	(tag) =	ssettag $0x0;
	lr =	simm.s32 $0x1  }
0x2: {  	[smem:$0x3F9F] =	sst lr;
	_ =	strace $0xD0000000  }
0x3: {  	_ = 	snop  }
0x4: {  	_ = 	snop  }
0x5: {  	_ = 	snop  }
0x6: {  	_ = 	snop  }
0x7: {  	_ = 	snop  }
__scs_overlays_trampoline_lowered:
0x8: {  	[smem:$0x3FAE] =	sst s0  }
0x9: {  	[smem:$0x3FAF] =	sst s1  }
0xa: {  	[smem:$0x3FB0] =	sst s2  }
0xb: {  	[smem:$0x3FB1] =	sst s3  }
0xc: {  	[smem:$0x3FB2] =	sst s4  }
0xd: {  	[smem:$0x3FB3] =	sst s5  }
0xe: {  	[smem:$0x3FB4] =	sst s6  }
0xf: {  	[smem:$0x3FB5] =	sst s7  }
0x10: {  	[smem:$0x3FB6] =	sst s8  }
0x11: {  	[smem:$0x3FB7] =	sst s9;
	s0 =	simm.s32 @!p0 $0x0  }
0x12: {  	s1 =	sld [smem:$0x3F9D];
	s0 =	simm.s32 @p0 $0x1  }
0x13: {  	[smem:$0x3FB8] =	sst s0;
	s0 =	simm.s32 @!p1 $0x0  }
0x14: {  	s2 =	sld [smem:$0x3F9C];
	s0 =	simm.s32 @p1 $0x1  }
0x15: {  	[smem:$0x3FB9] =	sst s0;
	s0 =	simm.s32 @!p2 $0x0  }
0x16: {  	s3 =	sld [smem:$0x3FDB];
	s0 =	simm.s32 @p2 $0x1  }
0x17: {  	s4 =	simm.s32 $0x1BF5;
	[smem:$0x3FBB] =	sst s0  }
0x18: {  	s0 =	sld [smem:$0x3F9E];
	_ =	swait.ge [sflag:s4], $0x0  }
0x19: {  	s7 =	sld [smem:$0x3F9F]  }
0x1a: {  	s8 =	sadd.s32 $0xFFFFE003, lr  }
0x1b: {  	s9 =	sadd.s32 $0xFFFFFEF7, lr;
	s5 =	simm.s32 $0xFFFFFFFF;
	p2 =	slt.u32 s8, $0xFFFFF086  }
0x1c: {  	p1 =	slt.u32 s9, $0xF7A;
	s5 =	simm.s32 @!p2 $0x0  }
0x1d: {  	s5 =	simm.s32 @p1 $0x1;
	p0 =	seq.s32 s7, s2  }
0x1e: {  	s7 =	smul.u32 @!p0 $0xF7A, s2;
	p2 =	seq.s32 @!p0 s5, $0x0  }
0x1f: {  	s9 =	smul.u32 $0xF7A, s1;
	s8 =	simm.s32 @!p0 $0x1BF5;
	p2 =	por !p2, p0  }
0x20: {  	[sflag:s8] =	ssyncset.s32 @!p0 $0xFFFFF086;
	s6 =	sadd.s32 @!p0 s3, s7;
	s7 =	simm.s32 @!p0 $0x108  }
0x21: {  	s3 =	sadd.s32 s3, s9;
	s6 =	sadd.s32 @!p0 $0x88, s6;
	s7 =	simm.s32 @p2 $0x1082  }
0x22: {  	[simem:s7], [sflag:s8] =	dma.local @!p0 [hbm:s6], $0xF7A  }
0x23: {  	s9 =	sor.u32 $0xD0000000, s2;
	s6 =	simm.s32 $0x108;
	_ =	swait.ge @!p0 [sflag:s8], $0x0  }
0x24: {  	s3 =	sadd.s32 $0x88, s3;
	s6 =	simm.s32 @!p1 $0x1082;
	[sflag:s4] =	ssyncset.s32 $0xFFFFF086  }
0x25: {  	[simem:s6], [sflag:s4] =	dma.local [hbm:s3], $0xF7A  }
0x26: {  	[smem:$0x3F9F] =	sst s1;
	(tag) =	ssettag s2;
	_ =	strace s9  }
0x27: {  	s1 =	sld [smem:$0x3FAF]  }
0x28: {  	s2 =	sld [smem:$0x3FB0]  }
0x29: {  	s4 =	sld [smem:$0x3FB2]  }
0x2a: {  	p0 =	seq.s32 s5, $0x0;
	s5 =	sld [smem:$0x3FB3]  }
0x2b: {  	s6 =	sld [smem:$0x3FB4]  }
0x2c: {  	s7 =	sld [smem:$0x3FB5]  }
0x2d: {  	s3 =	simm.s32 $0x108;
	s8 =	sld [smem:$0x3FB6]  }
0x2e: {  	s3 =	simm.s32 @!p0 $0x1082;
	s9 =	sld [smem:$0x3FB7]  }
0x2f: {  	lr =	sadd.s32 s0, s3;
	s0 =	sld [smem:$0x3FAE]  }
0x30: {  	s3 =	sld [smem:$0x3FB1]  }
0x31: {  	[smem:$0x3FBA] =	sst s10  }
0x32: {  	s10 =	sld [smem:$0x3FB8];
	_ =	sdelay $0x3  }
0x33: {  	p0 =	seq.s32 s10, $0x1;
	s10 =	sld [smem:$0x3FBA];
	_ =	sdelay $0x3  }
0x34: {  	[smem:$0x3FBA] =	sst s10  }
0x35: {  	s10 =	sld [smem:$0x3FB9];
	_ =	sdelay $0x3  }
0x36: {  	p1 =	seq.s32 s10, $0x1;
	s10 =	sld [smem:$0x3FBA];
	_ =	sdelay $0x3  }
0x37: {  	[smem:$0x3FBA] =	sst s10  }
0x38: {  	s10 =	sld [smem:$0x3FBB]  }
0x39: {  	_ = 	snop;
	(pc) =	sbr.ind lr, $3  }
0x3a: {  	_ = 	snop  }
0x3b: {  	_ = 	snop  }
0x3c: {  	p2 =	seq.s32 s10, $0x1;
	s10 =	sld [smem:$0x3FBA]  }
0x3d: {  	_ =	shalt  }
0x3e: {  	_ =	shalt  }
0x3f: {  	_ =	shalt  }
0x40: {  	_ =	shalt  }
0x41: {  	_ =	shalt  }
0x42: {  	_ =	shalt  }
0x43: {  	_ =	shalt  }
0x44: {  	_ =	shalt  }
0x45: {  	_ =	shalt  }
0x46: {  	_ =	shalt  }
0x47: {  	_ =	shalt  }
0x48: {  	_ =	shalt  }
0x49: {  	_ =	shalt  }
0x4a: {  	_ =	shalt  }
0x4b: {  	_ =	shalt  }
0x4c: {  	_ =	shalt  }
0x4d: {  	_ =	shalt  }
0x4e: {  	_ =	shalt  }
0x4f: {  	_ =	shalt  }
0x50: {  	_ =	shalt  }
0x51: {  	_ =	shalt  }
0x52: {  	_ =	shalt  }
0x53: {  	_ =	shalt  }
0x54: {  	_ =	shalt  }
0x55: {  	_ =	shalt  }
0x56: {  	_ =	shalt  }
0x57: {  	_ =	shalt  }
0x58: {  	_ =	shalt  }
0x59: {  	_ =	shalt  }
0x5a: {  	_ =	shalt  }
0x5b: {  	_ =	shalt  }
0x5c: {  	_ =	shalt  }
0x5d: {  	_ =	shalt  }
0x5e: {  	_ =	shalt  }
0x5f: {  	_ =	shalt  }
0x60: {  	_ =	shalt  }
0x61: {  	_ =	shalt  }
0x62: {  	_ =	shalt  }
0x63: {  	_ =	shalt  }
0x64: {  	_ =	shalt  }
0x65: {  	_ =	shalt  }
0x66: {  	_ =	shalt  }
0x67: {  	_ =	shalt  }
0x68: {  	_ =	shalt  }
0x69: {  	_ =	shalt  }
0x6a: {  	_ =	shalt  }
0x6b: {  	_ =	shalt  }
0x6c: {  	_ =	shalt  }
0x6d: {  	_ =	shalt  }
0x6e: {  	_ =	shalt  }
0x6f: {  	_ =	shalt  }
0x70: {  	_ =	shalt  }
0x71: {  	_ =	shalt  }
0x72: {  	_ =	shalt  }
0x73: {  	_ =	shalt  }
0x74: {  	_ =	shalt  }
0x75: {  	_ =	shalt  }
0x76: {  	_ =	shalt  }
0x77: {  	_ =	shalt  }
0x78: {  	_ =	shalt  }
0x79: {  	_ =	shalt  }
0x7a: {  	_ =	shalt  }
0x7b: {  	_ =	shalt  }
0x7c: {  	_ =	shalt  }
0x7d: {  	_ =	shalt  }
0x7e: {  	_ =	shalt  }
0x7f: {  	_ =	shalt  }
0x80: {  	_ =	shalt  }
0x81: {  	_ =	shalt  }
0x82: {  	_ =	shalt  }
0x83: {  	_ =	shalt  }
0x84: {  	_ =	shalt  }
0x85: {  	_ =	shalt  }
0x86: {  	_ =	shalt  }
0x87: {  	_ =	shalt  }
.Lfunc_end0:
.L_simem_size_0:
called_computation_lowered:
.L_overlay_start_0:
0x88: {  	s2 =	sld [smem:$0x3FD9]  }
0x89: {  	s3 =	sld [smem:$0x3FFE];
	_ =	sdelay $0x1  }
0x8a: {  	s1 =	srdreg.scid  }
0x8b: {  	s0 =	sand.u32 $0x1, s1  }
0x8c: {  	s18 =	sshll.u32 s0, $0xA;
	s2 =	sadd.s32 s3, s2  }
0x8d: {  	s2 =	sadd.s32 s2, s18  }
0x8e: {  	[smem:$0x3FC6] =	sst s2  }
0x8f: {  	_ = 	snop  }
0x90: {  	s2 =	sld [smem:$0x3FC9]  }
0x91: {  	s19 =	sld [smem:$0x3FD0];
	(tm) =	ssettm $0x1  }
0x92: {  	s4 =	sld [smem:$0x3FFB];
	_ =	sdelay $0x3  }
0x93: {  	_ =	strace s4  }
0x94: {  	s4 =	sld [smem:$0x3FFC];
	_ =	sdelay $0x3  }
0x95: {  	_ =	strace s4  }
0x96: {  	s4 =	sld [smem:$0x3FFD];
	_ =	sdelay $0x3  }
0x97: {  	_ =	strace s4  }
0x98: {  	_ =	strace $0x8FFFFFFF  }
0x99: {  	s20 =	sld [smem:$0x3FDB];
	_ =	sdelay $0x1  }
0x9a: {  	s5 =	simm.s32 $_scs_section_size  }
0x9b: {  	s6 =	simm.s32 $_size__tile_overlayer_lowered;
	s7 =	simm.s32 $_tile_overlayer_lowered  }
0x9c: {  	s23 =	simm.s32 $0x1BFF;
	s22 =	sshll.u32 s7, $0x1;
	s4 =	sadd.s32 s5, s20  }
0x9d: {  	s8 =	simm.s32 $0x0;
	s21 =	sshll.u32 s6, $0x1;
	s6 =	sadd.s32 s22, s4  }
0x9e: {  	[timem:s8], [sflag:s23] =	dma.local [hbm:s6], s21  }
0x9f: {  	_ =	swait.ge [sflag:s23], s21  }
0xa0: {  	s5 =	ssub.s32 $0x0, s21;
	[sflag:s23] =	ssyncset.done $0x0  }
0xa1: {  	[sflag:s23] =	ssyncadd.s32 s5;
	_ =	sdelay $0x1  }
0xa2: {  	s24 =	simm.s32 $0x1B8B  }
0xa3: {  	_ =	swait.ge [sflag:s24], $0x1  }
0xa4: {  	[sflag:s24] =	ssyncset.done $0x0  }
0xa5: {  	s25 =	simm.s32 $0x1B8E;
	[sflag:s24] =	ssyncadd.s32 $0xFFFFFFFF  }
0xa6: {  	s26 =	simm.s32 $execute0_lowered;
	[smem:$0x3FD2] =	sst s25  }
0xa7: {  	s5 =	sshll.u32 s26, $0x1;
	_ =	strace $0x80000046;
	[dreg:$0x1] =	wrdreg $0xFFFFFFFF  }
0xa8: {  	s28 =	simm.s32 $_size_execute0_lowered;
	s4 =	sadd.s32 s4, s5;
	[dreg:$0x0] =	wrdreg $0x0  }
0xa9: {  	s5 =	sshll.u32 s28, $0x1;
	[dreg:$0x2] =	wrdreg s4  }
0xaa: {  	[dreg:$0x3] =	wrdreg s5  }
0xab: {  	[dreg:$0x4] =	wrdreg $0xC0  }
0xac: {  	_ =	task [dreg:s8], $0x5FFFF  }
0xad: {  	[dreg:$0x1] =	wrdreg $0xFFFFFFFF  }
0xae: {  	[dreg:$0x0] =	wrdreg $0x60  }
0xaf: {  	[dreg:$0x2] =	wrdreg s2  }
0xb0: {  	[dreg:$0x3] =	wrdreg s19  }
0xb1: {  	[dreg:$0x4] =	wrdreg $0x9  }
0xb2: {  	_ =	task.clear_ibuf [dreg:s8], $0x5FFFF;
	_ =	strace $0x90000046  }
0xb3: {  	s29 =	simm.s32 $0x9;
	_ =	strace $0x80000048  }
0xb4: {  	_ =	swait.ge [sflag:s29], $0x1  }
0xb5: {  	[sflag:s29] =	ssyncadd.s32 $0xFFFFFFFF  }
0xb6: {  	_ =	strace $0x90000048  }
0xb7: {  	_ =	sfence  }
0xb8: {  	s30 =	sld [smem:$0x0];
	_ =	sdelay $0x2  }
0xb9: {  	s31 =	sshll.u32 s1, $0xD;
	s1 =	sshrl.u32 s1, $0x2  }
0xba: {  	s3 =	sand.u32 $0x4000, s31;
	s1 =	sadd.s32 s1, s30  }
0xbb: {  	s0 =	sor.u32 s3, s0;
	s1 =	sshll.u32 s1, $0x11  }
0xbc: {  	s0 =	sor.u32 s1, s0  }
0xbd: {  	s0 =	sadd.s32 $0x8F2B, s0  }
0xbe: {  	[sflag:s0] =	ssyncadd.remote.s32 $0x1  }
0xbf: {  	_ =	sfence.sel $0xFFFF  }
0xc0: {  	[dreg:$0x0] =	wrdreg $0xFFFFFFFF;
	(pc) =	sbr.abs _section_cstart, $3  }
0xc1: {  	[dreg:$0x1] =	wrdreg $0xFFFFFFFF  }
0xc2: {  	_ =	task.clear_ibuf [dreg:s8], $0x2FFFF;
	_ =	strace $0x9FFFFFFF  }
0xc3: {  	(tm) =	ssettm $0x7FFFFFFF  }
tec
execute0_lowered:
.L_overlay_start_1:
0x0: {  	(tag) =	ssettag $0x1  }
0x1: {  	s0 =	rddreg [dreg:$0x0]  }
0x2: {  	s1 =	srdreg.scid;
	s17 =	stileid.u32  }
0x3: {  	s19 =	rddreg [dreg:$0x1];
	s2 =	simm.s32 $0x0;
	s21 =	simm.s32 $0x4000  }
0x4: {  	s22 =	simm.s32 $0x8000;
	s23 =	simm.s32 $0x1;
	s24 =	simm.s32 $0xC000  }
0x5: {  	s25 =	simm.s32 $0x2;
	s26 =	simm.s32 $0x3;
	s30 =	simm.s32 $0x4  }
0x6: {  	s31 =	simm.s32 $0x0;
	s1 =	sand.u32 $0x1, s1;
	s3 =	sshll.u32 s17, $0x1  }
0x7: {  	[smem:$0x7FF] =	sst s2;
	s29 =	sshll.u32 s17, $0xE;
	s18 =	sor.u32 s1, s3  }
0x8: {  	s1 =	ssub.s32 $0x2, s1;
	_ =	strace $0x80000047;
	s3 =	sshll.u32 s18, $0xF  }
0x9: {  	s4 =	sshrl.u32 s1, $0x1;
	s20 =	sshll.u32 s18, $0x4;
	s3 =	sadd.s32 s0, s3  }
0xa: {  	s28 =	ssub.s32 s1, s4;
	s1 =	sand.u32 $0x30000, s29;
	s20 =	sand.u32 $0x70, s20  }
0xb: {  	s4 =	sadd.s32 $0x800, s3;
	s5 =	sadd.s32 $0x1000, s3;
	s6 =	sadd.s32 $0x1800, s3  }
0xc: {  	s7 =	sadd.s32 $0x2000, s3;
	s8 =	sadd.s32 $0x2800, s3;
	s9 =	sadd.s32 $0x3000, s3  }
0xd: {  	s10 =	sadd.s32 $0x3800, s3;
	s11 =	sadd.s32 $0x4000, s3;
	s12 =	sadd.s32 $0x4800, s3  }
0xe: {  	s13 =	sadd.s32 $0x5000, s3;
	s14 =	sadd.s32 $0x5800, s3;
	s15 =	sadd.s32 $0x6000, s3  }
0xf: {  	s16 =	sadd.s32 $0x6800, s3;
	s17 =	sadd.s32 $0x7000, s3;
	s1 =	sadd.s32 s19, s1  }
0x10: {  	v0 =	vimm.s32 $0x0;
	v1 =	vimm.s32 $0x1;
	s18 =	sadd.s32 $0x7800, s3;
	s19 =	sadd.s32 s20, s1;
	s20 =	smax.u32 s28, $0x1  }
.LBB2_1:
0x11: {  	[tilespmem:s2], [sflag:$0x1] =	stream.linear.gather [hbm4b:s3+s2], $0x4000, $0x38;
	[tilespmem:$0x1C000] =	vst v63  }
0x12: {  	_ = 	snop  }
0x13: {  	[tilespmem:s21], [sflag:$0x2] =	stream.linear.gather [hbm4b:s4+s2], $0x4000, $0x38;
	[tilespmem:$0x1C000] =	vst v63  }
0x14: {  	s0 =	simm.s32 $0xC040  }
0x15: {  	[tilespmem:s22], [sflag:$0x3] =	stream.linear.gather [hbm4b:s5+s2], $0x4000, $0x38;
	[tilespmem:$0x1C000] =	vst v63  }
0x16: {  	[tilespmem:s0+$0xFFFFFFC0] =	vst v0  }
0x17: {  	[tilespmem:s0+$0x30] =	vst v0  }
0x18: {  	[tilespmem:s0+$0x20] =	vst v0  }
0x19: {  	[tilespmem:s0+$0x10] =	vst v0  }
0x1a: {  	[tilespmem:s0+$0x0] =	vst v0  }
0x1b: {  	[tilespmem:s0+$0xFFFFFFF0] =	vst v0  }
0x1c: {  	s1 =	simm.s32 $0x0;
	[tilespmem:s0+$0xFFFFFFE0] =	vst v0  }
.LBB2_2:
0x1d: {  	s1 =	sadd.s32 $0x8, s1;
	[tilespmem:s0+$0xFFFFFFD0] =	vst v0;
	s0 =	sadd.s32 $0x80, s0  }
0x1e: {  	[tilespmem:s0+$0xFFFFFFC0] =	vst v0;
	p0 =	slt.u32 s1, $0xFF8  }
0x1f: {  	[tilespmem:s0+$0x30] =	vst v0  }
.Ltmp0:
0x20: {  	[tilespmem:s0+$0x20] =	vst v0;
	(pc) =	sbr.rel @p0 .LBB2_2-.Ltmp0, $4  }
0x21: {  	[tilespmem:s0+$0x10] =	vst v0  }
0x22: {  	[tilespmem:s0+$0x0] =	vst v0  }
0x23: {  	[tilespmem:s0+$0xFFFFFFF0] =	vst v0  }
0x24: {  	[tilespmem:s0+$0xFFFFFFE0] =	vst v0  }
0x25: {  	[tilespmem:s0+$0xFFFFFFD0] =	vst v0  }
0x26: {  	s1 =	simm.s32 $0x0;
	s0 =	simm.s32 $0x0;
	_ =	swait.ge [sflag:s23], $0x4000  }
0x27: {  	s28 =	sand.u32 $0x3800, s1;
	s29 =	sand.u32 $0x380, s0;
	[sflag:s23] =	ssyncset.done $0x0  }
0x28: {  	s28 =	sor.u32 s29, s28;
	[sflag:s23] =	ssyncadd.s32 $0xFFFFC000  }
0x29: {  	v2 =	vld [tilespmem:s28+$0x470]  }
0x2a: {  	v3 =	vld [tilespmem:s28+$0x0]  }
0x2b: {  	v4 =	vld [tilespmem:s28+$0x10]  }
0x2c: {  	v5 =	vld [tilespmem:s28+$0x20]  }
0x2d: {  	v6 =	vld [tilespmem:s28+$0x30]  }
0x2e: {  	v7 =	vld [tilespmem:s28+$0x40]  }
0x2f: {  	v8 =	vld [tilespmem:s28+$0x50]  }
0x30: {  	v9 =	vld [tilespmem:s28+$0x60]  }
0x31: {  	v10 =	vld [tilespmem:s28+$0x70]  }
0x32: {  	v11 =	vld [tilespmem:s28+$0x400];
	v2 =	vshrl.u32 v2, $0x10  }
0x33: {  	v12 =	vld [tilespmem:s28+$0x420]  }
0x34: {  	v13 =	vld [tilespmem:s28+$0x430]  }
0x35: {  	v14 =	vld [tilespmem:s28+$0x440];
	v3 =	vshrl.u32 v3, $0x10  }
0x36: {  	v15 =	vld [tilespmem:s28+$0x450];
	v4 =	vshrl.u32 v4, $0x10  }
0x37: {  	v5 =	vshrl.u32 v5, $0x10;
	[tilespmem:v2+s24+$0x0] =	vst.idx.add.s32.msk $0xffff, v1  }
0x38: {  	v6 =	vshrl.u32 v6, $0x10;
	v2 =	vld [tilespmem:s28+$0x410]  }
0x39: {  	v16 =	vld [tilespmem:s28+$0x460];
	v7 =	vshrl.u32 v7, $0x10  }
0x3a: {  	v8 =	vshrl.u32 v8, $0x10;
	[tilespmem:v3+s24+$0x0] =	vst.idx.add.s32.msk $0xffff, v1  }
0x3b: {  	v3 =	vshrl.u32 v9, $0x10;
	[tilespmem:v4+s24+$0x0] =	vst.idx.add.s32.msk $0xffff, v1  }
0x3c: {  	v4 =	vshrl.u32 v10, $0x10;
	[tilespmem:v5+s24+$0x0] =	vst.idx.add.s32.msk $0xffff, v1  }
0x3d: {  	[tilespmem:v6+s24+$0x0] =	vst.idx.add.s32.msk $0xffff, v1;
	v2 =	vshrl.u32 v2, $0x10  }
0x3e: {  	v5 =	vshrl.u32 v11, $0x10;
	[tilespmem:v7+s24+$0x0] =	vst.idx.add.s32.msk $0xffff, v1  }
0x3f: {  	v6 =	vshrl.u32 v12, $0x10;
	[tilespmem:v8+s24+$0x0] =	vst.idx.add.s32.msk $0xffff, v1  }
0x40: {  	v7 =	vshrl.u32 v13, $0x10;
	[tilespmem:v3+s24+$0x0] =	vst.idx.add.s32.msk $0xffff, v1  }
0x41: {  	[tilespmem:v4+s24+$0x0] =	vst.idx.add.s32.msk $0xffff, v1;
	v4 =	vshrl.u32 v14, $0x10  }
0x42: {  	[tilespmem:v2+s24+$0x0] =	vst.idx.add.s32.msk $0xffff, v1;
	v2 =	vshrl.u32 v15, $0x10  }
0x43: {  	[tilespmem:v5+s24+$0x0] =	vst.idx.add.s32.msk $0xffff, v1;
	v3 =	vshrl.u32 v16, $0x10  }
0x44: {  	[tilespmem:v6+s24+$0x0] =	vst.idx.add.s32.msk $0xffff, v1  }
0x45: {  	[tilespmem:v7+s24+$0x0] =	vst.idx.add.s32.msk $0xffff, v1  }
.LBB2_4:
0x46: {  	s0 =	sadd.s32 $0x10, s0;
	[tilespmem:v4+s24+$0x0] =	vst.idx.add.s32.msk $0xffff, v1;
	s1 =	sadd.s32 $0x800, s1  }
0x47: {  	s28 =	sand.u32 $0x3800, s1;
	s29 =	sand.u32 $0x380, s0;
	p0 =	slt.u32 s0, $0x3F0;
	[tilespmem:v2+s24+$0x0] =	vst.idx.add.s32.msk $0xffff, v1  }
0x48: {  	s28 =	sor.u32 s29, s28;
	[tilespmem:v3+s24+$0x0] =	vst.idx.add.s32.msk $0xffff, v1  }
0x49: {  	v2 =	vld [tilespmem:s28+$0x470]  }
0x4a: {  	v3 =	vld [tilespmem:s28+$0x0]  }
0x4b: {  	v4 =	vld [tilespmem:s28+$0x10]  }
0x4c: {  	v5 =	vld [tilespmem:s28+$0x20]  }
0x4d: {  	v6 =	vld [tilespmem:s28+$0x30]  }
0x4e: {  	v7 =	vld [tilespmem:s28+$0x40];
	v2 =	vshrl.u32 v2, $0x10  }
0x4f: {  	v3 =	vshrl.u32 v3, $0x10;
	v8 =	vld [tilespmem:s28+$0x50]  }
0x50: {  	v4 =	vshrl.u32 v4, $0x10;
	v9 =	vld [tilespmem:s28+$0x60]  }
0x51: {  	v5 =	vshrl.u32 v5, $0x10;
	v10 =	vld [tilespmem:s28+$0x70]  }
0x52: {  	v6 =	vshrl.u32 v6, $0x10;
	v11 =	vld [tilespmem:s28+$0x400]  }
0x53: {  	v7 =	vshrl.u32 v7, $0x10;
	[tilespmem:v2+s24+$0x0] =	vst.idx.add.s32.msk $0xffff, v1  }
0x54: {  	v8 =	vshrl.u32 v8, $0x10;
	v2 =	vld [tilespmem:s28+$0x410]  }
0x55: {  	v9 =	vshrl.u32 v9, $0x10;
	v12 =	vld [tilespmem:s28+$0x420]  }
0x56: {  	v10 =	vshrl.u32 v10, $0x10;
	v13 =	vld [tilespmem:s28+$0x430]  }
0x57: {  	v11 =	vshrl.u32 v11, $0x10;
	v14 =	vld [tilespmem:s28+$0x440]  }
0x58: {  	v15 =	vld [tilespmem:s28+$0x450]  }
0x59: {  	v16 =	vshrl.u32 v2, $0x10;
	v17 =	vld [tilespmem:s28+$0x460]  }
0x5a: {  	[tilespmem:v3+s24+$0x0] =	vst.idx.add.s32.msk $0xffff, v1;
	v12 =	vshrl.u32 v12, $0x10  }
0x5b: {  	[tilespmem:v4+s24+$0x0] =	vst.idx.add.s32.msk $0xffff, v1;
	v13 =	vshrl.u32 v13, $0x10  }
0x5c: {  	[tilespmem:v5+s24+$0x0] =	vst.idx.add.s32.msk $0xffff, v1;
	v4 =	vshrl.u32 v14, $0x10  }
0x5d: {  	[tilespmem:v6+s24+$0x0] =	vst.idx.add.s32.msk $0xffff, v1;
	v2 =	vshrl.u32 v15, $0x10  }
0x5e: {  	[tilespmem:v7+s24+$0x0] =	vst.idx.add.s32.msk $0xffff, v1;
	v3 =	vshrl.u32 v17, $0x10  }
0x5f: {  	[tilespmem:v8+s24+$0x0] =	vst.idx.add.s32.msk $0xffff, v1  }
0x60: {  	[tilespmem:v9+s24+$0x0] =	vst.idx.add.s32.msk $0xffff, v1  }
.Ltmp1:
0x61: {  	[tilespmem:v10+s24+$0x0] =	vst.idx.add.s32.msk $0xffff, v1;
	(pc) =	sbr.rel @p0 .LBB2_4-.Ltmp1, $4  }
0x62: {  	[tilespmem:v11+s24+$0x0] =	vst.idx.add.s32.msk $0xffff, v1  }
0x63: {  	[tilespmem:v16+s24+$0x0] =	vst.idx.add.s32.msk $0xffff, v1  }
0x64: {  	[tilespmem:v12+s24+$0x0] =	vst.idx.add.s32.msk $0xffff, v1  }
0x65: {  	[tilespmem:v13+s24+$0x0] =	vst.idx.add.s32.msk $0xffff, v1  }
0x66: {  	_ =	sdelay $0x3  }
0x67: {  	[tilespmem:v4+s24+$0x0] =	vst.idx.add.s32.msk $0xffff, v1  }
0x68: {  	[tilespmem:v2+s24+$0x0] =	vst.idx.add.s32.msk $0xffff, v1  }
0x69: {  	[tilespmem:v3+s24+$0x0] =	vst.idx.add.s32.msk $0xffff, v1;
	s1 =	simm.s32 $0x0  }
0x6a: {  	[tilespmem:s1], [sflag:$0x1] =	stream.linear.gather [hbm4b:s6+s1], $0x4000, $0x38;
	[tilespmem:$0x1C000] =	vst v63  }
0x6b: {  	s0 =	simm.s32 $0x0;
	_ =	swait.ge [sflag:s25], $0x4000  }
0x6c: {  	s28 =	sand.u32 $0x3800, s1;
	s29 =	sand.u32 $0x380, s0;
	[sflag:s25] =	ssyncset.done $0x0  }
0x6d: {  	s28 =	sor.u32 s29, s28;
	[sflag:s25] =	ssyncadd.s32 $0xFFFFC000  }
0x6e: {  	v2 =	vld [tilespmem:s28+$0x4470]  }
0x6f: {  	v3 =	vld [tilespmem:s28+$0x4000]  }
0x70: {  	v4 =	vld [tilespmem:s28+$0x4010]  }
0x71: {  	v5 =	vld [tilespmem:s28+$0x4020]  }
0x72: {  	v6 =	vld [tilespmem:s28+$0x4030]  }
0x73: {  	v7 =	vld [tilespmem:s28+$0x4040]  }
0x74: {  	v8 =	vld [tilespmem:s28+$0x4050]  }
0x75: {  	v9 =	vld [tilespmem:s28+$0x4060]  }
0x76: {  	v10 =	vld [tilespmem:s28+$0x4070]  }
0x77: {  	v11 =	vld [tilespmem:s28+$0x4400];
	v2 =	vshrl.u32 v2, $0x10  }
0x78: {  	v12 =	vld [tilespmem:s28+$0x4420]  }
0x79: {  	v13 =	vld [tilespmem:s28+$0x4430]  }
0x7a: {  	v14 =	vld [tilespmem:s28+$0x4440];
	v3 =	vshrl.u32 v3, $0x10  }
0x7b: {  	v15 =	vld [tilespmem:s28+$0x4450];
	v4 =	vshrl.u32 v4, $0x10  }
0x7c: {  	v5 =	vshrl.u32 v5, $0x10;
	[tilespmem:v2+s24+$0x0] =	vst.idx.add.s32.msk $0xffff, v1  }
0x7d: {  	v6 =	vshrl.u32 v6, $0x10;
	v2 =	vld [tilespmem:s28+$0x4410]  }
0x7e: {  	v16 =	vld [tilespmem:s28+$0x4460];
	v7 =	vshrl.u32 v7, $0x10  }
0x7f: {  	v8 =	vshrl.u32 v8, $0x10;
	[tilespmem:v3+s24+$0x0] =	vst.idx.add.s32.msk $0xffff, v1  }
0x80: {  	v3 =	vshrl.u32 v9, $0x10;
	[tilespmem:v4+s24+$0x0] =	vst.idx.add.s32.msk $0xffff, v1  }
0x81: {  	v4 =	vshrl.u32 v10, $0x10;
	[tilespmem:v5+s24+$0x0] =	vst.idx.add.s32.msk $0xffff, v1  }
0x82: {  	[tilespmem:v6+s24+$0x0] =	vst.idx.add.s32.msk $0xffff, v1;
	v2 =	vshrl.u32 v2, $0x10  }
0x83: {  	v5 =	vshrl.u32 v11, $0x10;
	[tilespmem:v7+s24+$0x0] =	vst.idx.add.s32.msk $0xffff, v1  }
0x84: {  	v6 =	vshrl.u32 v12, $0x10;
	[tilespmem:v8+s24+$0x0] =	vst.idx.add.s32.msk $0xffff, v1  }
0x85: {  	v7 =	vshrl.u32 v13, $0x10;
	[tilespmem:v3+s24+$0x0] =	vst.idx.add.s32.msk $0xffff, v1  }
0x86: {  	[tilespmem:v4+s24+$0x0] =	vst.idx.add.s32.msk $0xffff, v1;
	v4 =	vshrl.u32 v14, $0x10  }
0x87: {  	[tilespmem:v2+s24+$0x0] =	vst.idx.add.s32.msk $0xffff, v1;
	v2 =	vshrl.u32 v15, $0x10  }
0x88: {  	[tilespmem:v5+s24+$0x0] =	vst.idx.add.s32.msk $0xffff, v1;
	v3 =	vshrl.u32 v16, $0x10  }
0x89: {  	[tilespmem:v6+s24+$0x0] =	vst.idx.add.s32.msk $0xffff, v1  }
0x8a: {  	[tilespmem:v7+s24+$0x0] =	vst.idx.add.s32.msk $0xffff, v1  }
.LBB2_6:
0x8b: {  	s0 =	sadd.s32 $0x10, s0;
	[tilespmem:v4+s24+$0x0] =	vst.idx.add.s32.msk $0xffff, v1;
	s1 =	sadd.s32 $0x800, s1  }
0x8c: {  	s28 =	sand.u32 $0x3800, s1;
	s29 =	sand.u32 $0x380, s0;
	p0 =	slt.u32 s0, $0x3F0;
	[tilespmem:v2+s24+$0x0] =	vst.idx.add.s32.msk $0xffff, v1  }
0x8d: {  	s28 =	sor.u32 s29, s28;
	[tilespmem:v3+s24+$0x0] =	vst.idx.add.s32.msk $0xffff, v1  }
0x8e: {  	v2 =	vld [tilespmem:s28+$0x4470]  }
0x8f: {  	v3 =	vld [tilespmem:s28+$0x4000]  }
0x90: {  	v4 =	vld [tilespmem:s28+$0x4010]  }
0x91: {  	v5 =	vld [tilespmem:s28+$0x4020]  }
0x92: {  	v6 =	vld [tilespmem:s28+$0x4030]  }
0x93: {  	v7 =	vld [tilespmem:s28+$0x4040];
	v2 =	vshrl.u32 v2, $0x10  }
0x94: {  	v3 =	vshrl.u32 v3, $0x10;
	v8 =	vld [tilespmem:s28+$0x4050]  }
0x95: {  	v4 =	vshrl.u32 v4, $0x10;
	v9 =	vld [tilespmem:s28+$0x4060]  }
0x96: {  	v5 =	vshrl.u32 v5, $0x10;
	v10 =	vld [tilespmem:s28+$0x4070]  }
0x97: {  	v6 =	vshrl.u32 v6, $0x10;
	v11 =	vld [tilespmem:s28+$0x4400]  }
0x98: {  	v7 =	vshrl.u32 v7, $0x10;
	[tilespmem:v2+s24+$0x0] =	vst.idx.add.s32.msk $0xffff, v1  }
0x99: {  	v8 =	vshrl.u32 v8, $0x10;
	v2 =	vld [tilespmem:s28+$0x4410]  }
0x9a: {  	v9 =	vshrl.u32 v9, $0x10;
	v12 =	vld [tilespmem:s28+$0x4420]  }
0x9b: {  	v10 =	vshrl.u32 v10, $0x10;
	v13 =	vld [tilespmem:s28+$0x4430]  }
0x9c: {  	v11 =	vshrl.u32 v11, $0x10;
	v14 =	vld [tilespmem:s28+$0x4440]  }
0x9d: {  	v15 =	vld [tilespmem:s28+$0x4450]  }
0x9e: {  	v16 =	vshrl.u32 v2, $0x10;
	v17 =	vld [tilespmem:s28+$0x4460]  }
0x9f: {  	[tilespmem:v3+s24+$0x0] =	vst.idx.add.s32.msk $0xffff, v1;
	v12 =	vshrl.u32 v12, $0x10  }
0xa0: {  	[tilespmem:v4+s24+$0x0] =	vst.idx.add.s32.msk $0xffff, v1;
	v13 =	vshrl.u32 v13, $0x10  }
0xa1: {  	[tilespmem:v5+s24+$0x0] =	vst.idx.add.s32.msk $0xffff, v1;
	v4 =	vshrl.u32 v14, $0x10  }
0xa2: {  	[tilespmem:v6+s24+$0x0] =	vst.idx.add.s32.msk $0xffff, v1;
	v2 =	vshrl.u32 v15, $0x10  }
0xa3: {  	[tilespmem:v7+s24+$0x0] =	vst.idx.add.s32.msk $0xffff, v1;
	v3 =	vshrl.u32 v17, $0x10  }
0xa4: {  	[tilespmem:v8+s24+$0x0] =	vst.idx.add.s32.msk $0xffff, v1  }
0xa5: {  	[tilespmem:v9+s24+$0x0] =	vst.idx.add.s32.msk $0xffff, v1  }
.Ltmp2:
0xa6: {  	[tilespmem:v10+s24+$0x0] =	vst.idx.add.s32.msk $0xffff, v1;
	(pc) =	sbr.rel @p0 .LBB2_6-.Ltmp2, $4  }
0xa7: {  	[tilespmem:v11+s24+$0x0] =	vst.idx.add.s32.msk $0xffff, v1  }
0xa8: {  	[tilespmem:v16+s24+$0x0] =	vst.idx.add.s32.msk $0xffff, v1  }
0xa9: {  	[tilespmem:v12+s24+$0x0] =	vst.idx.add.s32.msk $0xffff, v1  }
0xaa: {  	[tilespmem:v13+s24+$0x0] =	vst.idx.add.s32.msk $0xffff, v1  }
0xab: {  	_ =	sdelay $0x3  }
0xac: {  	[tilespmem:v4+s24+$0x0] =	vst.idx.add.s32.msk $0xffff, v1  }
0xad: {  	[tilespmem:v2+s24+$0x0] =	vst.idx.add.s32.msk $0xffff, v1  }
0xae: {  	[tilespmem:v3+s24+$0x0] =	vst.idx.add.s32.msk $0xffff, v1;
	s1 =	simm.s32 $0x0  }
0xaf: {  	[tilespmem:s21], [sflag:$0x2] =	stream.linear.gather [hbm4b:s7+s1], $0x4000, $0x38;
	[tilespmem:$0x1C000] =	vst v63  }
0xb0: {  	s0 =	simm.s32 $0x0;
	_ =	swait.ge [sflag:s26], $0x4000  }
0xb1: {  	s28 =	sand.u32 $0x3800, s1;
	s29 =	sand.u32 $0x380, s0;
	[sflag:s26] =	ssyncset.done $0x0  }
0xb2: {  	s28 =	sor.u32 s29, s28;
	[sflag:s26] =	ssyncadd.s32 $0xFFFFC000  }
0xb3: {  	v2 =	vld [tilespmem:s28+$0x8470]  }
0xb4: {  	v3 =	vld [tilespmem:s28+$0x8000]  }
0xb5: {  	v4 =	vld [tilespmem:s28+$0x8010]  }
0xb6: {  	v5 =	vld [tilespmem:s28+$0x8020]  }
0xb7: {  	v6 =	vld [tilespmem:s28+$0x8030]  }
0xb8: {  	v7 =	vld [tilespmem:s28+$0x8040]  }
0xb9: {  	v8 =	vld [tilespmem:s28+$0x8050]  }
0xba: {  	v9 =	vld [tilespmem:s28+$0x8060]  }
0xbb: {  	v10 =	vld [tilespmem:s28+$0x8070]  }
0xbc: {  	v11 =	vld [tilespmem:s28+$0x8400];
	v2 =	vshrl.u32 v2, $0x10  }
0xbd: {  	v12 =	vld [tilespmem:s28+$0x8420]  }
0xbe: {  	v13 =	vld [tilespmem:s28+$0x8430]  }
0xbf: {  	v14 =	vld [tilespmem:s28+$0x8440];
	v3 =	vshrl.u32 v3, $0x10  }
0xc0: {  	v15 =	vld [tilespmem:s28+$0x8450];
	v4 =	vshrl.u32 v4, $0x10  }
0xc1: {  	v5 =	vshrl.u32 v5, $0x10;
	[tilespmem:v2+s24+$0x0] =	vst.idx.add.s32.msk $0xffff, v1  }
0xc2: {  	v6 =	vshrl.u32 v6, $0x10;
	v2 =	vld [tilespmem:s28+$0x8410]  }
0xc3: {  	v16 =	vld [tilespmem:s28+$0x8460];
	v7 =	vshrl.u32 v7, $0x10  }
0xc4: {  	v8 =	vshrl.u32 v8, $0x10;
	[tilespmem:v3+s24+$0x0] =	vst.idx.add.s32.msk $0xffff, v1  }
0xc5: {  	v3 =	vshrl.u32 v9, $0x10;
	[tilespmem:v4+s24+$0x0] =	vst.idx.add.s32.msk $0xffff, v1  }
0xc6: {  	v4 =	vshrl.u32 v10, $0x10;
	[tilespmem:v5+s24+$0x0] =	vst.idx.add.s32.msk $0xffff, v1  }
0xc7: {  	[tilespmem:v6+s24+$0x0] =	vst.idx.add.s32.msk $0xffff, v1;
	v2 =	vshrl.u32 v2, $0x10  }
0xc8: {  	v5 =	vshrl.u32 v11, $0x10;
	[tilespmem:v7+s24+$0x0] =	vst.idx.add.s32.msk $0xffff, v1  }
0xc9: {  	v6 =	vshrl.u32 v12, $0x10;
	[tilespmem:v8+s24+$0x0] =	vst.idx.add.s32.msk $0xffff, v1  }
0xca: {  	v7 =	vshrl.u32 v13, $0x10;
	[tilespmem:v3+s24+$0x0] =	vst.idx.add.s32.msk $0xffff, v1  }
0xcb: {  	[tilespmem:v4+s24+$0x0] =	vst.idx.add.s32.msk $0xffff, v1;
	v4 =	vshrl.u32 v14, $0x10  }
0xcc: {  	[tilespmem:v2+s24+$0x0] =	vst.idx.add.s32.msk $0xffff, v1;
	v2 =	vshrl.u32 v15, $0x10  }
0xcd: {  	[tilespmem:v5+s24+$0x0] =	vst.idx.add.s32.msk $0xffff, v1;
	v3 =	vshrl.u32 v16, $0x10  }
0xce: {  	[tilespmem:v6+s24+$0x0] =	vst.idx.add.s32.msk $0xffff, v1  }
0xcf: {  	[tilespmem:v7+s24+$0x0] =	vst.idx.add.s32.msk $0xffff, v1  }
.LBB2_8:
0xd0: {  	s0 =	sadd.s32 $0x10, s0;
	[tilespmem:v4+s24+$0x0] =	vst.idx.add.s32.msk $0xffff, v1;
	s1 =	sadd.s32 $0x800, s1  }
0xd1: {  	s28 =	sand.u32 $0x3800, s1;
	s29 =	sand.u32 $0x380, s0;
	p0 =	slt.u32 s0, $0x3F0;
	[tilespmem:v2+s24+$0x0] =	vst.idx.add.s32.msk $0xffff, v1  }
0xd2: {  	s28 =	sor.u32 s29, s28;
	[tilespmem:v3+s24+$0x0] =	vst.idx.add.s32.msk $0xffff, v1  }
0xd3: {  	v2 =	vld [tilespmem:s28+$0x8470]  }
0xd4: {  	v3 =	vld [tilespmem:s28+$0x8000]  }
0xd5: {  	v4 =	vld [tilespmem:s28+$0x8010]  }
0xd6: {  	v5 =	vld [tilespmem:s28+$0x8020]  }
0xd7: {  	v6 =	vld [tilespmem:s28+$0x8030]  }
0xd8: {  	v7 =	vld [tilespmem:s28+$0x8040];
	v2 =	vshrl.u32 v2, $0x10  }
0xd9: {  	v3 =	vshrl.u32 v3, $0x10;
	v8 =	vld [tilespmem:s28+$0x8050]  }
0xda: {  	v4 =	vshrl.u32 v4, $0x10;
	v9 =	vld [tilespmem:s28+$0x8060]  }
0xdb: {  	v5 =	vshrl.u32 v5, $0x10;
	v10 =	vld [tilespmem:s28+$0x8070]  }
0xdc: {  	v6 =	vshrl.u32 v6, $0x10;
	v11 =	vld [tilespmem:s28+$0x8400]  }
0xdd: {  	v7 =	vshrl.u32 v7, $0x10;
	[tilespmem:v2+s24+$0x0] =	vst.idx.add.s32.msk $0xffff, v1  }
0xde: {  	v8 =	vshrl.u32 v8, $0x10;
	v2 =	vld [tilespmem:s28+$0x8410]  }
0xdf: {  	v9 =	vshrl.u32 v9, $0x10;
	v12 =	vld [tilespmem:s28+$0x8420]  }
0xe0: {  	v10 =	vshrl.u32 v10, $0x10;
	v13 =	vld [tilespmem:s28+$0x8430]  }
0xe1: {  	v11 =	vshrl.u32 v11, $0x10;
	v14 =	vld [tilespmem:s28+$0x8440]  }
0xe2: {  	v15 =	vld [tilespmem:s28+$0x8450]  }
0xe3: {  	v16 =	vshrl.u32 v2, $0x10;
	v17 =	vld [tilespmem:s28+$0x8460]  }
0xe4: {  	[tilespmem:v3+s24+$0x0] =	vst.idx.add.s32.msk $0xffff, v1;
	v12 =	vshrl.u32 v12, $0x10  }
0xe5: {  	[tilespmem:v4+s24+$0x0] =	vst.idx.add.s32.msk $0xffff, v1;
	v13 =	vshrl.u32 v13, $0x10  }
0xe6: {  	[tilespmem:v5+s24+$0x0] =	vst.idx.add.s32.msk $0xffff, v1;
	v4 =	vshrl.u32 v14, $0x10  }
0xe7: {  	[tilespmem:v6+s24+$0x0] =	vst.idx.add.s32.msk $0xffff, v1;
	v2 =	vshrl.u32 v15, $0x10  }
0xe8: {  	[tilespmem:v7+s24+$0x0] =	vst.idx.add.s32.msk $0xffff, v1;
	v3 =	vshrl.u32 v17, $0x10  }
0xe9: {  	[tilespmem:v8+s24+$0x0] =	vst.idx.add.s32.msk $0xffff, v1  }
0xea: {  	[tilespmem:v9+s24+$0x0] =	vst.idx.add.s32.msk $0xffff, v1  }
.Ltmp3:
0xeb: {  	[tilespmem:v10+s24+$0x0] =	vst.idx.add.s32.msk $0xffff, v1;
	(pc) =	sbr.rel @p0 .LBB2_8-.Ltmp3, $4  }
0xec: {  	[tilespmem:v11+s24+$0x0] =	vst.idx.add.s32.msk $0xffff, v1  }
0xed: {  	[tilespmem:v16+s24+$0x0] =	vst.idx.add.s32.msk $0xffff, v1  }
0xee: {  	[tilespmem:v12+s24+$0x0] =	vst.idx.add.s32.msk $0xffff, v1  }
0xef: {  	[tilespmem:v13+s24+$0x0] =	vst.idx.add.s32.msk $0xffff, v1  }
0xf0: {  	_ =	sdelay $0x3  }
0xf1: {  	[tilespmem:v4+s24+$0x0] =	vst.idx.add.s32.msk $0xffff, v1  }
0xf2: {  	[tilespmem:v2+s24+$0x0] =	vst.idx.add.s32.msk $0xffff, v1  }
0xf3: {  	[tilespmem:v3+s24+$0x0] =	vst.idx.add.s32.msk $0xffff, v1;
	s1 =	simm.s32 $0x0  }
0xf4: {  	[tilespmem:s22], [sflag:$0x3] =	stream.linear.gather [hbm4b:s8+s1], $0x4000, $0x38;
	[tilespmem:$0x1C000] =	vst v63  }
0xf5: {  	s0 =	simm.s32 $0x0;
	_ =	swait.ge [sflag:s23], $0x4000  }
0xf6: {  	s28 =	sand.u32 $0x3800, s1;
	s29 =	sand.u32 $0x380, s0;
	[sflag:s23] =	ssyncset.done $0x0  }
0xf7: {  	s28 =	sor.u32 s29, s28;
	[sflag:s23] =	ssyncadd.s32 $0xFFFFC000  }
0xf8: {  	v2 =	vld [tilespmem:s28+$0x470]  }
0xf9: {  	v3 =	vld [tilespmem:s28+$0x0]  }
0xfa: {  	v4 =	vld [tilespmem:s28+$0x10]  }
0xfb: {  	v5 =	vld [tilespmem:s28+$0x20]  }
0xfc: {  	v6 =	vld [tilespmem:s28+$0x30]  }
0xfd: {  	v7 =	vld [tilespmem:s28+$0x40]  }
0xfe: {  	v8 =	vld [tilespmem:s28+$0x50]  }
0xff: {  	v9 =	vld [tilespmem:s28+$0x60]  }
0x100: {  	v10 =	vld [tilespmem:s28+$0x70]  }
0x101: {  	v11 =	vld [tilespmem:s28+$0x400];
	v2 =	vshrl.u32 v2, $0x10  }
0x102: {  	v12 =	vld [tilespmem:s28+$0x420]  }
0x103: {  	v13 =	vld [tilespmem:s28+$0x430]  }
0x104: {  	v14 =	vld [tilespmem:s28+$0x440];
	v3 =	vshrl.u32 v3, $0x10  }
0x105: {  	v15 =	vld [tilespmem:s28+$0x450];
	v4 =	vshrl.u32 v4, $0x10  }
0x106: {  	v5 =	vshrl.u32 v5, $0x10;
	[tilespmem:v2+s24+$0x0] =	vst.idx.add.s32.msk $0xffff, v1  }
0x107: {  	v6 =	vshrl.u32 v6, $0x10;
	v2 =	vld [tilespmem:s28+$0x410]  }
0x108: {  	v16 =	vld [tilespmem:s28+$0x460];
	v7 =	vshrl.u32 v7, $0x10  }
0x109: {  	v8 =	vshrl.u32 v8, $0x10;
	[tilespmem:v3+s24+$0x0] =	vst.idx.add.s32.msk $0xffff, v1  }
0x10a: {  	v3 =	vshrl.u32 v9, $0x10;
	[tilespmem:v4+s24+$0x0] =	vst.idx.add.s32.msk $0xffff, v1  }
0x10b: {  	v4 =	vshrl.u32 v10, $0x10;
	[tilespmem:v5+s24+$0x0] =	vst.idx.add.s32.msk $0xffff, v1  }
0x10c: {  	[tilespmem:v6+s24+$0x0] =	vst.idx.add.s32.msk $0xffff, v1;
	v2 =	vshrl.u32 v2, $0x10  }
0x10d: {  	v5 =	vshrl.u32 v11, $0x10;
	[tilespmem:v7+s24+$0x0] =	vst.idx.add.s32.msk $0xffff, v1  }
0x10e: {  	v6 =	vshrl.u32 v12, $0x10;
	[tilespmem:v8+s24+$0x0] =	vst.idx.add.s32.msk $0xffff, v1  }
0x10f: {  	v7 =	vshrl.u32 v13, $0x10;
	[tilespmem:v3+s24+$0x0] =	vst.idx.add.s32.msk $0xffff, v1  }
0x110: {  	[tilespmem:v4+s24+$0x0] =	vst.idx.add.s32.msk $0xffff, v1;
	v4 =	vshrl.u32 v14, $0x10  }
0x111: {  	[tilespmem:v2+s24+$0x0] =	vst.idx.add.s32.msk $0xffff, v1;
	v2 =	vshrl.u32 v15, $0x10  }
0x112: {  	[tilespmem:v5+s24+$0x0] =	vst.idx.add.s32.msk $0xffff, v1;
	v3 =	vshrl.u32 v16, $0x10  }
0x113: {  	[tilespmem:v6+s24+$0x0] =	vst.idx.add.s32.msk $0xffff, v1  }
0x114: {  	[tilespmem:v7+s24+$0x0] =	vst.idx.add.s32.msk $0xffff, v1  }
.LBB2_10:
0x115: {  	s0 =	sadd.s32 $0x10, s0;
	[tilespmem:v4+s24+$0x0] =	vst.idx.add.s32.msk $0xffff, v1;
	s1 =	sadd.s32 $0x800, s1  }
0x116: {  	s28 =	sand.u32 $0x3800, s1;
	s29 =	sand.u32 $0x380, s0;
	p0 =	slt.u32 s0, $0x3F0;
	[tilespmem:v2+s24+$0x0] =	vst.idx.add.s32.msk $0xffff, v1  }
0x117: {  	s28 =	sor.u32 s29, s28;
	[tilespmem:v3+s24+$0x0] =	vst.idx.add.s32.msk $0xffff, v1  }
0x118: {  	v2 =	vld [tilespmem:s28+$0x470]  }
0x119: {  	v3 =	vld [tilespmem:s28+$0x0]  }
0x11a: {  	v4 =	vld [tilespmem:s28+$0x10]  }
0x11b: {  	v5 =	vld [tilespmem:s28+$0x20]  }
0x11c: {  	v6 =	vld [tilespmem:s28+$0x30]  }
0x11d: {  	v7 =	vld [tilespmem:s28+$0x40];
	v2 =	vshrl.u32 v2, $0x10  }
0x11e: {  	v3 =	vshrl.u32 v3, $0x10;
	v8 =	vld [tilespmem:s28+$0x50]  }
0x11f: {  	v4 =	vshrl.u32 v4, $0x10;
	v9 =	vld [tilespmem:s28+$0x60]  }
0x120: {  	v5 =	vshrl.u32 v5, $0x10;
	v10 =	vld [tilespmem:s28+$0x70]  }
0x121: {  	v6 =	vshrl.u32 v6, $0x10;
	v11 =	vld [tilespmem:s28+$0x400]  }
0x122: {  	v7 =	vshrl.u32 v7, $0x10;
	[tilespmem:v2+s24+$0x0] =	vst.idx.add.s32.msk $0xffff, v1  }
0x123: {  	v8 =	vshrl.u32 v8, $0x10;
	v2 =	vld [tilespmem:s28+$0x410]  }
0x124: {  	v9 =	vshrl.u32 v9, $0x10;
	v12 =	vld [tilespmem:s28+$0x420]  }
0x125: {  	v10 =	vshrl.u32 v10, $0x10;
	v13 =	vld [tilespmem:s28+$0x430]  }
0x126: {  	v11 =	vshrl.u32 v11, $0x10;
	v14 =	vld [tilespmem:s28+$0x440]  }
0x127: {  	v15 =	vld [tilespmem:s28+$0x450]  }
0x128: {  	v16 =	vshrl.u32 v2, $0x10;
	v17 =	vld [tilespmem:s28+$0x460]  }
0x129: {  	[tilespmem:v3+s24+$0x0] =	vst.idx.add.s32.msk $0xffff, v1;
	v12 =	vshrl.u32 v12, $0x10  }
0x12a: {  	[tilespmem:v4+s24+$0x0] =	vst.idx.add.s32.msk $0xffff, v1;
	v13 =	vshrl.u32 v13, $0x10  }
0x12b: {  	[tilespmem:v5+s24+$0x0] =	vst.idx.add.s32.msk $0xffff, v1;
	v4 =	vshrl.u32 v14, $0x10  }
0x12c: {  	[tilespmem:v6+s24+$0x0] =	vst.idx.add.s32.msk $0xffff, v1;
	v2 =	vshrl.u32 v15, $0x10  }
0x12d: {  	[tilespmem:v7+s24+$0x0] =	vst.idx.add.s32.msk $0xffff, v1;
	v3 =	vshrl.u32 v17, $0x10  }
0x12e: {  	[tilespmem:v8+s24+$0x0] =	vst.idx.add.s32.msk $0xffff, v1  }
0x12f: {  	[tilespmem:v9+s24+$0x0] =	vst.idx.add.s32.msk $0xffff, v1  }
.Ltmp4:
0x130: {  	[tilespmem:v10+s24+$0x0] =	vst.idx.add.s32.msk $0xffff, v1;
	(pc) =	sbr.rel @p0 .LBB2_10-.Ltmp4, $4  }
0x131: {  	[tilespmem:v11+s24+$0x0] =	vst.idx.add.s32.msk $0xffff, v1  }
0x132: {  	[tilespmem:v16+s24+$0x0] =	vst.idx.add.s32.msk $0xffff, v1  }
0x133: {  	[tilespmem:v12+s24+$0x0] =	vst.idx.add.s32.msk $0xffff, v1  }
0x134: {  	[tilespmem:v13+s24+$0x0] =	vst.idx.add.s32.msk $0xffff, v1  }
0x135: {  	_ =	sdelay $0x3  }
0x136: {  	[tilespmem:v4+s24+$0x0] =	vst.idx.add.s32.msk $0xffff, v1  }
0x137: {  	[tilespmem:v2+s24+$0x0] =	vst.idx.add.s32.msk $0xffff, v1  }
0x138: {  	[tilespmem:v3+s24+$0x0] =	vst.idx.add.s32.msk $0xffff, v1;
	s1 =	simm.s32 $0x0  }
0x139: {  	[tilespmem:s1], [sflag:$0x1] =	stream.linear.gather [hbm4b:s9+s1], $0x4000, $0x38;
	[tilespmem:$0x1C000] =	vst v63  }
0x13a: {  	s0 =	simm.s32 $0x0;
	_ =	swait.ge [sflag:s25], $0x4000  }
0x13b: {  	s28 =	sand.u32 $0x3800, s1;
	s29 =	sand.u32 $0x380, s0;
	[sflag:s25] =	ssyncset.done $0x0  }
0x13c: {  	s28 =	sor.u32 s29, s28;
	[sflag:s25] =	ssyncadd.s32 $0xFFFFC000  }
0x13d: {  	v2 =	vld [tilespmem:s28+$0x4470]  }
0x13e: {  	v3 =	vld [tilespmem:s28+$0x4000]  }
0x13f: {  	v4 =	vld [tilespmem:s28+$0x4010]  }
0x140: {  	v5 =	vld [tilespmem:s28+$0x4020]  }
0x141: {  	v6 =	vld [tilespmem:s28+$0x4030]  }
0x142: {  	v7 =	vld [tilespmem:s28+$0x4040]  }
0x143: {  	v8 =	vld [tilespmem:s28+$0x4050]  }
0x144: {  	v9 =	vld [tilespmem:s28+$0x4060]  }
0x145: {  	v10 =	vld [tilespmem:s28+$0x4070]  }
0x146: {  	v11 =	vld [tilespmem:s28+$0x4400];
	v2 =	vshrl.u32 v2, $0x10  }
0x147: {  	v12 =	vld [tilespmem:s28+$0x4420]  }
0x148: {  	v13 =	vld [tilespmem:s28+$0x4430]  }
0x149: {  	v14 =	vld [tilespmem:s28+$0x4440];
	v3 =	vshrl.u32 v3, $0x10  }
0x14a: {  	v15 =	vld [tilespmem:s28+$0x4450];
	v4 =	vshrl.u32 v4, $0x10  }
0x14b: {  	v5 =	vshrl.u32 v5, $0x10;
	[tilespmem:v2+s24+$0x0] =	vst.idx.add.s32.msk $0xffff, v1  }
0x14c: {  	v6 =	vshrl.u32 v6, $0x10;
	v2 =	vld [tilespmem:s28+$0x4410]  }
0x14d: {  	v16 =	vld [tilespmem:s28+$0x4460];
	v7 =	vshrl.u32 v7, $0x10  }
0x14e: {  	v8 =	vshrl.u32 v8, $0x10;
	[tilespmem:v3+s24+$0x0] =	vst.idx.add.s32.msk $0xffff, v1  }
0x14f: {  	v3 =	vshrl.u32 v9, $0x10;
	[tilespmem:v4+s24+$0x0] =	vst.idx.add.s32.msk $0xffff, v1  }
0x150: {  	v4 =	vshrl.u32 v10, $0x10;
	[tilespmem:v5+s24+$0x0] =	vst.idx.add.s32.msk $0xffff, v1  }
0x151: {  	[tilespmem:v6+s24+$0x0] =	vst.idx.add.s32.msk $0xffff, v1;
	v2 =	vshrl.u32 v2, $0x10  }
0x152: {  	v5 =	vshrl.u32 v11, $0x10;
	[tilespmem:v7+s24+$0x0] =	vst.idx.add.s32.msk $0xffff, v1  }
0x153: {  	v6 =	vshrl.u32 v12, $0x10;
	[tilespmem:v8+s24+$0x0] =	vst.idx.add.s32.msk $0xffff, v1  }
0x154: {  	v7 =	vshrl.u32 v13, $0x10;
	[tilespmem:v3+s24+$0x0] =	vst.idx.add.s32.msk $0xffff, v1  }
0x155: {  	[tilespmem:v4+s24+$0x0] =	vst.idx.add.s32.msk $0xffff, v1;
	v4 =	vshrl.u32 v14, $0x10  }
0x156: {  	[tilespmem:v2+s24+$0x0] =	vst.idx.add.s32.msk $0xffff, v1;
	v2 =	vshrl.u32 v15, $0x10  }
0x157: {  	[tilespmem:v5+s24+$0x0] =	vst.idx.add.s32.msk $0xffff, v1;
	v3 =	vshrl.u32 v16, $0x10  }
0x158: {  	[tilespmem:v6+s24+$0x0] =	vst.idx.add.s32.msk $0xffff, v1  }
0x159: {  	[tilespmem:v7+s24+$0x0] =	vst.idx.add.s32.msk $0xffff, v1  }
.LBB2_12:
0x15a: {  	s0 =	sadd.s32 $0x10, s0;
	[tilespmem:v4+s24+$0x0] =	vst.idx.add.s32.msk $0xffff, v1;
	s1 =	sadd.s32 $0x800, s1  }
0x15b: {  	s28 =	sand.u32 $0x3800, s1;
	s29 =	sand.u32 $0x380, s0;
	p0 =	slt.u32 s0, $0x3F0;
	[tilespmem:v2+s24+$0x0] =	vst.idx.add.s32.msk $0xffff, v1  }
0x15c: {  	s28 =	sor.u32 s29, s28;
	[tilespmem:v3+s24+$0x0] =	vst.idx.add.s32.msk $0xffff, v1  }
0x15d: {  	v2 =	vld [tilespmem:s28+$0x4470]  }
0x15e: {  	v3 =	vld [tilespmem:s28+$0x4000]  }
0x15f: {  	v4 =	vld [tilespmem:s28+$0x4010]  }
0x160: {  	v5 =	vld [tilespmem:s28+$0x4020]  }
0x161: {  	v6 =	vld [tilespmem:s28+$0x4030]  }
0x162: {  	v7 =	vld [tilespmem:s28+$0x4040];
	v2 =	vshrl.u32 v2, $0x10  }
0x163: {  	v3 =	vshrl.u32 v3, $0x10;
	v8 =	vld [tilespmem:s28+$0x4050]  }
0x164: {  	v4 =	vshrl.u32 v4, $0x10;
	v9 =	vld [tilespmem:s28+$0x4060]  }
0x165: {  	v5 =	vshrl.u32 v5, $0x10;
	v10 =	vld [tilespmem:s28+$0x4070]  }
0x166: {  	v6 =	vshrl.u32 v6, $0x10;
	v11 =	vld [tilespmem:s28+$0x4400]  }
0x167: {  	v7 =	vshrl.u32 v7, $0x10;
	[tilespmem:v2+s24+$0x0] =	vst.idx.add.s32.msk $0xffff, v1  }
0x168: {  	v8 =	vshrl.u32 v8, $0x10;
	v2 =	vld [tilespmem:s28+$0x4410]  }
0x169: {  	v9 =	vshrl.u32 v9, $0x10;
	v12 =	vld [tilespmem:s28+$0x4420]  }
0x16a: {  	v10 =	vshrl.u32 v10, $0x10;
	v13 =	vld [tilespmem:s28+$0x4430]  }
0x16b: {  	v11 =	vshrl.u32 v11, $0x10;
	v14 =	vld [tilespmem:s28+$0x4440]  }
0x16c: {  	v15 =	vld [tilespmem:s28+$0x4450]  }
0x16d: {  	v16 =	vshrl.u32 v2, $0x10;
	v17 =	vld [tilespmem:s28+$0x4460]  }
0x16e: {  	[tilespmem:v3+s24+$0x0] =	vst.idx.add.s32.msk $0xffff, v1;
	v12 =	vshrl.u32 v12, $0x10  }
0x16f: {  	[tilespmem:v4+s24+$0x0] =	vst.idx.add.s32.msk $0xffff, v1;
	v13 =	vshrl.u32 v13, $0x10  }
0x170: {  	[tilespmem:v5+s24+$0x0] =	vst.idx.add.s32.msk $0xffff, v1;
	v4 =	vshrl.u32 v14, $0x10  }
0x171: {  	[tilespmem:v6+s24+$0x0] =	vst.idx.add.s32.msk $0xffff, v1;
	v2 =	vshrl.u32 v15, $0x10  }
0x172: {  	[tilespmem:v7+s24+$0x0] =	vst.idx.add.s32.msk $0xffff, v1;
	v3 =	vshrl.u32 v17, $0x10  }
0x173: {  	[tilespmem:v8+s24+$0x0] =	vst.idx.add.s32.msk $0xffff, v1  }
0x174: {  	[tilespmem:v9+s24+$0x0] =	vst.idx.add.s32.msk $0xffff, v1  }
.Ltmp5:
0x175: {  	[tilespmem:v10+s24+$0x0] =	vst.idx.add.s32.msk $0xffff, v1;
	(pc) =	sbr.rel @p0 .LBB2_12-.Ltmp5, $4  }
0x176: {  	[tilespmem:v11+s24+$0x0] =	vst.idx.add.s32.msk $0xffff, v1  }
0x177: {  	[tilespmem:v16+s24+$0x0] =	vst.idx.add.s32.msk $0xffff, v1  }
0x178: {  	[tilespmem:v12+s24+$0x0] =	vst.idx.add.s32.msk $0xffff, v1  }
0x179: {  	[tilespmem:v13+s24+$0x0] =	vst.idx.add.s32.msk $0xffff, v1  }
0x17a: {  	_ =	sdelay $0x3  }
0x17b: {  	[tilespmem:v4+s24+$0x0] =	vst.idx.add.s32.msk $0xffff, v1  }
0x17c: {  	[tilespmem:v2+s24+$0x0] =	vst.idx.add.s32.msk $0xffff, v1  }
0x17d: {  	[tilespmem:v3+s24+$0x0] =	vst.idx.add.s32.msk $0xffff, v1;
	s1 =	simm.s32 $0x0  }
0x17e: {  	[tilespmem:s21], [sflag:$0x2] =	stream.linear.gather [hbm4b:s10+s1], $0x4000, $0x38;
	[tilespmem:$0x1C000] =	vst v63  }
0x17f: {  	s0 =	simm.s32 $0x0;
	_ =	swait.ge [sflag:s26], $0x4000  }
0x180: {  	s28 =	sand.u32 $0x3800, s1;
	s29 =	sand.u32 $0x380, s0;
	[sflag:s26] =	ssyncset.done $0x0  }
0x181: {  	s28 =	sor.u32 s29, s28;
	[sflag:s26] =	ssyncadd.s32 $0xFFFFC000  }
0x182: {  	v2 =	vld [tilespmem:s28+$0x8470]  }
0x183: {  	v3 =	vld [tilespmem:s28+$0x8000]  }
0x184: {  	v4 =	vld [tilespmem:s28+$0x8010]  }
0x185: {  	v5 =	vld [tilespmem:s28+$0x8020]  }
0x186: {  	v6 =	vld [tilespmem:s28+$0x8030]  }
0x187: {  	v7 =	vld [tilespmem:s28+$0x8040]  }
0x188: {  	v8 =	vld [tilespmem:s28+$0x8050]  }
0x189: {  	v9 =	vld [tilespmem:s28+$0x8060]  }
0x18a: {  	v10 =	vld [tilespmem:s28+$0x8070]  }
0x18b: {  	v11 =	vld [tilespmem:s28+$0x8400];
	v2 =	vshrl.u32 v2, $0x10  }
0x18c: {  	v12 =	vld [tilespmem:s28+$0x8420]  }
0x18d: {  	v13 =	vld [tilespmem:s28+$0x8430]  }
0x18e: {  	v14 =	vld [tilespmem:s28+$0x8440];
	v3 =	vshrl.u32 v3, $0x10  }
0x18f: {  	v15 =	vld [tilespmem:s28+$0x8450];
	v4 =	vshrl.u32 v4, $0x10  }
0x190: {  	v5 =	vshrl.u32 v5, $0x10;
	[tilespmem:v2+s24+$0x0] =	vst.idx.add.s32.msk $0xffff, v1  }
0x191: {  	v6 =	vshrl.u32 v6, $0x10;
	v2 =	vld [tilespmem:s28+$0x8410]  }
0x192: {  	v16 =	vld [tilespmem:s28+$0x8460];
	v7 =	vshrl.u32 v7, $0x10  }
0x193: {  	v8 =	vshrl.u32 v8, $0x10;
	[tilespmem:v3+s24+$0x0] =	vst.idx.add.s32.msk $0xffff, v1  }
0x194: {  	v3 =	vshrl.u32 v9, $0x10;
	[tilespmem:v4+s24+$0x0] =	vst.idx.add.s32.msk $0xffff, v1  }
0x195: {  	v4 =	vshrl.u32 v10, $0x10;
	[tilespmem:v5+s24+$0x0] =	vst.idx.add.s32.msk $0xffff, v1  }
0x196: {  	[tilespmem:v6+s24+$0x0] =	vst.idx.add.s32.msk $0xffff, v1;
	v2 =	vshrl.u32 v2, $0x10  }
0x197: {  	v5 =	vshrl.u32 v11, $0x10;
	[tilespmem:v7+s24+$0x0] =	vst.idx.add.s32.msk $0xffff, v1  }
0x198: {  	v6 =	vshrl.u32 v12, $0x10;
	[tilespmem:v8+s24+$0x0] =	vst.idx.add.s32.msk $0xffff, v1  }
0x199: {  	v7 =	vshrl.u32 v13, $0x10;
	[tilespmem:v3+s24+$0x0] =	vst.idx.add.s32.msk $0xffff, v1  }
0x19a: {  	[tilespmem:v4+s24+$0x0] =	vst.idx.add.s32.msk $0xffff, v1;
	v4 =	vshrl.u32 v14, $0x10  }
0x19b: {  	[tilespmem:v2+s24+$0x0] =	vst.idx.add.s32.msk $0xffff, v1;
	v2 =	vshrl.u32 v15, $0x10  }
0x19c: {  	[tilespmem:v5+s24+$0x0] =	vst.idx.add.s32.msk $0xffff, v1;
	v3 =	vshrl.u32 v16, $0x10  }
0x19d: {  	[tilespmem:v6+s24+$0x0] =	vst.idx.add.s32.msk $0xffff, v1  }
0x19e: {  	[tilespmem:v7+s24+$0x0] =	vst.idx.add.s32.msk $0xffff, v1  }
.LBB2_14:
0x19f: {  	s0 =	sadd.s32 $0x10, s0;
	[tilespmem:v4+s24+$0x0] =	vst.idx.add.s32.msk $0xffff, v1;
	s1 =	sadd.s32 $0x800, s1  }
0x1a0: {  	s28 =	sand.u32 $0x3800, s1;
	s29 =	sand.u32 $0x380, s0;
	p0 =	slt.u32 s0, $0x3F0;
	[tilespmem:v2+s24+$0x0] =	vst.idx.add.s32.msk $0xffff, v1  }
0x1a1: {  	s28 =	sor.u32 s29, s28;
	[tilespmem:v3+s24+$0x0] =	vst.idx.add.s32.msk $0xffff, v1  }
0x1a2: {  	v2 =	vld [tilespmem:s28+$0x8470]  }
0x1a3: {  	v3 =	vld [tilespmem:s28+$0x8000]  }
0x1a4: {  	v4 =	vld [tilespmem:s28+$0x8010]  }
0x1a5: {  	v5 =	vld [tilespmem:s28+$0x8020]  }
0x1a6: {  	v6 =	vld [tilespmem:s28+$0x8030]  }
0x1a7: {  	v7 =	vld [tilespmem:s28+$0x8040];
	v2 =	vshrl.u32 v2, $0x10  }
0x1a8: {  	v3 =	vshrl.u32 v3, $0x10;
	v8 =	vld [tilespmem:s28+$0x8050]  }
0x1a9: {  	v4 =	vshrl.u32 v4, $0x10;
	v9 =	vld [tilespmem:s28+$0x8060]  }
0x1aa: {  	v5 =	vshrl.u32 v5, $0x10;
	v10 =	vld [tilespmem:s28+$0x8070]  }
0x1ab: {  	v6 =	vshrl.u32 v6, $0x10;
	v11 =	vld [tilespmem:s28+$0x8400]  }
0x1ac: {  	v7 =	vshrl.u32 v7, $0x10;
	[tilespmem:v2+s24+$0x0] =	vst.idx.add.s32.msk $0xffff, v1  }
0x1ad: {  	v8 =	vshrl.u32 v8, $0x10;
	v2 =	vld [tilespmem:s28+$0x8410]  }
0x1ae: {  	v9 =	vshrl.u32 v9, $0x10;
	v12 =	vld [tilespmem:s28+$0x8420]  }
0x1af: {  	v10 =	vshrl.u32 v10, $0x10;
	v13 =	vld [tilespmem:s28+$0x8430]  }
0x1b0: {  	v11 =	vshrl.u32 v11, $0x10;
	v14 =	vld [tilespmem:s28+$0x8440]  }
0x1b1: {  	v15 =	vld [tilespmem:s28+$0x8450]  }
0x1b2: {  	v16 =	vshrl.u32 v2, $0x10;
	v17 =	vld [tilespmem:s28+$0x8460]  }
0x1b3: {  	[tilespmem:v3+s24+$0x0] =	vst.idx.add.s32.msk $0xffff, v1;
	v12 =	vshrl.u32 v12, $0x10  }
0x1b4: {  	[tilespmem:v4+s24+$0x0] =	vst.idx.add.s32.msk $0xffff, v1;
	v13 =	vshrl.u32 v13, $0x10  }
0x1b5: {  	[tilespmem:v5+s24+$0x0] =	vst.idx.add.s32.msk $0xffff, v1;
	v4 =	vshrl.u32 v14, $0x10  }
0x1b6: {  	[tilespmem:v6+s24+$0x0] =	vst.idx.add.s32.msk $0xffff, v1;
	v2 =	vshrl.u32 v15, $0x10  }
0x1b7: {  	[tilespmem:v7+s24+$0x0] =	vst.idx.add.s32.msk $0xffff, v1;
	v3 =	vshrl.u32 v17, $0x10  }
0x1b8: {  	[tilespmem:v8+s24+$0x0] =	vst.idx.add.s32.msk $0xffff, v1  }
0x1b9: {  	[tilespmem:v9+s24+$0x0] =	vst.idx.add.s32.msk $0xffff, v1  }
.Ltmp6:
0x1ba: {  	[tilespmem:v10+s24+$0x0] =	vst.idx.add.s32.msk $0xffff, v1;
	(pc) =	sbr.rel @p0 .LBB2_14-.Ltmp6, $4  }
0x1bb: {  	[tilespmem:v11+s24+$0x0] =	vst.idx.add.s32.msk $0xffff, v1  }
0x1bc: {  	[tilespmem:v16+s24+$0x0] =	vst.idx.add.s32.msk $0xffff, v1  }
0x1bd: {  	[tilespmem:v12+s24+$0x0] =	vst.idx.add.s32.msk $0xffff, v1  }
0x1be: {  	[tilespmem:v13+s24+$0x0] =	vst.idx.add.s32.msk $0xffff, v1  }
0x1bf: {  	_ =	sdelay $0x3  }
0x1c0: {  	[tilespmem:v4+s24+$0x0] =	vst.idx.add.s32.msk $0xffff, v1  }
0x1c1: {  	[tilespmem:v2+s24+$0x0] =	vst.idx.add.s32.msk $0xffff, v1  }
0x1c2: {  	[tilespmem:v3+s24+$0x0] =	vst.idx.add.s32.msk $0xffff, v1;
	s1 =	simm.s32 $0x0  }
0x1c3: {  	[tilespmem:s22], [sflag:$0x3] =	stream.linear.gather [hbm4b:s11+s1], $0x4000, $0x38;
	[tilespmem:$0x1C000] =	vst v63  }
0x1c4: {  	s0 =	simm.s32 $0x0;
	_ =	swait.ge [sflag:s23], $0x4000  }
0x1c5: {  	s28 =	sand.u32 $0x3800, s1;
	s29 =	sand.u32 $0x380, s0;
	[sflag:s23] =	ssyncset.done $0x0  }
0x1c6: {  	s28 =	sor.u32 s29, s28;
	[sflag:s23] =	ssyncadd.s32 $0xFFFFC000  }
0x1c7: {  	v2 =	vld [tilespmem:s28+$0x470]  }
0x1c8: {  	v3 =	vld [tilespmem:s28+$0x0]  }
0x1c9: {  	v4 =	vld [tilespmem:s28+$0x10]  }
0x1ca: {  	v5 =	vld [tilespmem:s28+$0x20]  }
0x1cb: {  	v6 =	vld [tilespmem:s28+$0x30]  }
0x1cc: {  	v7 =	vld [tilespmem:s28+$0x40]  }
0x1cd: {  	v8 =	vld [tilespmem:s28+$0x50]  }
0x1ce: {  	v9 =	vld [tilespmem:s28+$0x60]  }
0x1cf: {  	v10 =	vld [tilespmem:s28+$0x70]  }
0x1d0: {  	v11 =	vld [tilespmem:s28+$0x400];
	v2 =	vshrl.u32 v2, $0x10  }
0x1d1: {  	v12 =	vld [tilespmem:s28+$0x420]  }
0x1d2: {  	v13 =	vld [tilespmem:s28+$0x430]  }
0x1d3: {  	v14 =	vld [tilespmem:s28+$0x440];
	v3 =	vshrl.u32 v3, $0x10  }
0x1d4: {  	v15 =	vld [tilespmem:s28+$0x450];
	v4 =	vshrl.u32 v4, $0x10  }
0x1d5: {  	v5 =	vshrl.u32 v5, $0x10;
	[tilespmem:v2+s24+$0x0] =	vst.idx.add.s32.msk $0xffff, v1  }
0x1d6: {  	v6 =	vshrl.u32 v6, $0x10;
	v2 =	vld [tilespmem:s28+$0x410]  }
0x1d7: {  	v16 =	vld [tilespmem:s28+$0x460];
	v7 =	vshrl.u32 v7, $0x10  }
0x1d8: {  	v8 =	vshrl.u32 v8, $0x10;
	[tilespmem:v3+s24+$0x0] =	vst.idx.add.s32.msk $0xffff, v1  }
0x1d9: {  	v3 =	vshrl.u32 v9, $0x10;
	[tilespmem:v4+s24+$0x0] =	vst.idx.add.s32.msk $0xffff, v1  }
0x1da: {  	v4 =	vshrl.u32 v10, $0x10;
	[tilespmem:v5+s24+$0x0] =	vst.idx.add.s32.msk $0xffff, v1  }
0x1db: {  	[tilespmem:v6+s24+$0x0] =	vst.idx.add.s32.msk $0xffff, v1;
	v2 =	vshrl.u32 v2, $0x10  }
0x1dc: {  	v5 =	vshrl.u32 v11, $0x10;
	[tilespmem:v7+s24+$0x0] =	vst.idx.add.s32.msk $0xffff, v1  }
0x1dd: {  	v6 =	vshrl.u32 v12, $0x10;
	[tilespmem:v8+s24+$0x0] =	vst.idx.add.s32.msk $0xffff, v1  }
0x1de: {  	v7 =	vshrl.u32 v13, $0x10;
	[tilespmem:v3+s24+$0x0] =	vst.idx.add.s32.msk $0xffff, v1  }
0x1df: {  	[tilespmem:v4+s24+$0x0] =	vst.idx.add.s32.msk $0xffff, v1;
	v4 =	vshrl.u32 v14, $0x10  }
0x1e0: {  	[tilespmem:v2+s24+$0x0] =	vst.idx.add.s32.msk $0xffff, v1;
	v2 =	vshrl.u32 v15, $0x10  }
0x1e1: {  	[tilespmem:v5+s24+$0x0] =	vst.idx.add.s32.msk $0xffff, v1;
	v3 =	vshrl.u32 v16, $0x10  }
0x1e2: {  	[tilespmem:v6+s24+$0x0] =	vst.idx.add.s32.msk $0xffff, v1  }
0x1e3: {  	[tilespmem:v7+s24+$0x0] =	vst.idx.add.s32.msk $0xffff, v1  }
.LBB2_16:
0x1e4: {  	s0 =	sadd.s32 $0x10, s0;
	[tilespmem:v4+s24+$0x0] =	vst.idx.add.s32.msk $0xffff, v1;
	s1 =	sadd.s32 $0x800, s1  }
0x1e5: {  	s28 =	sand.u32 $0x3800, s1;
	s29 =	sand.u32 $0x380, s0;
	p0 =	slt.u32 s0, $0x3F0;
	[tilespmem:v2+s24+$0x0] =	vst.idx.add.s32.msk $0xffff, v1  }
0x1e6: {  	s28 =	sor.u32 s29, s28;
	[tilespmem:v3+s24+$0x0] =	vst.idx.add.s32.msk $0xffff, v1  }
0x1e7: {  	v2 =	vld [tilespmem:s28+$0x470]  }
0x1e8: {  	v3 =	vld [tilespmem:s28+$0x0]  }
0x1e9: {  	v4 =	vld [tilespmem:s28+$0x10]  }
0x1ea: {  	v5 =	vld [tilespmem:s28+$0x20]  }
0x1eb: {  	v6 =	vld [tilespmem:s28+$0x30]  }
0x1ec: {  	v7 =	vld [tilespmem:s28+$0x40];
	v2 =	vshrl.u32 v2, $0x10  }
0x1ed: {  	v3 =	vshrl.u32 v3, $0x10;
	v8 =	vld [tilespmem:s28+$0x50]  }
0x1ee: {  	v4 =	vshrl.u32 v4, $0x10;
	v9 =	vld [tilespmem:s28+$0x60]  }
0x1ef: {  	v5 =	vshrl.u32 v5, $0x10;
	v10 =	vld [tilespmem:s28+$0x70]  }
0x1f0: {  	v6 =	vshrl.u32 v6, $0x10;
	v11 =	vld [tilespmem:s28+$0x400]  }
0x1f1: {  	v7 =	vshrl.u32 v7, $0x10;
	[tilespmem:v2+s24+$0x0] =	vst.idx.add.s32.msk $0xffff, v1  }
0x1f2: {  	v8 =	vshrl.u32 v8, $0x10;
	v2 =	vld [tilespmem:s28+$0x410]  }
0x1f3: {  	v9 =	vshrl.u32 v9, $0x10;
	v12 =	vld [tilespmem:s28+$0x420]  }
0x1f4: {  	v10 =	vshrl.u32 v10, $0x10;
	v13 =	vld [tilespmem:s28+$0x430]  }
0x1f5: {  	v11 =	vshrl.u32 v11, $0x10;
	v14 =	vld [tilespmem:s28+$0x440]  }
0x1f6: {  	v15 =	vld [tilespmem:s28+$0x450]  }
0x1f7: {  	v16 =	vshrl.u32 v2, $0x10;
	v17 =	vld [tilespmem:s28+$0x460]  }
0x1f8: {  	[tilespmem:v3+s24+$0x0] =	vst.idx.add.s32.msk $0xffff, v1;
	v12 =	vshrl.u32 v12, $0x10  }
0x1f9: {  	[tilespmem:v4+s24+$0x0] =	vst.idx.add.s32.msk $0xffff, v1;
	v13 =	vshrl.u32 v13, $0x10  }
0x1fa: {  	[tilespmem:v5+s24+$0x0] =	vst.idx.add.s32.msk $0xffff, v1;
	v4 =	vshrl.u32 v14, $0x10  }
0x1fb: {  	[tilespmem:v6+s24+$0x0] =	vst.idx.add.s32.msk $0xffff, v1;
	v2 =	vshrl.u32 v15, $0x10  }
0x1fc: {  	[tilespmem:v7+s24+$0x0] =	vst.idx.add.s32.msk $0xffff, v1;
	v3 =	vshrl.u32 v17, $0x10  }
0x1fd: {  	[tilespmem:v8+s24+$0x0] =	vst.idx.add.s32.msk $0xffff, v1  }
0x1fe: {  	[tilespmem:v9+s24+$0x0] =	vst.idx.add.s32.msk $0xffff, v1  }
.Ltmp7:
0x1ff: {  	[tilespmem:v10+s24+$0x0] =	vst.idx.add.s32.msk $0xffff, v1;
	(pc) =	sbr.rel @p0 .LBB2_16-.Ltmp7, $4  }
0x200: {  	[tilespmem:v11+s24+$0x0] =	vst.idx.add.s32.msk $0xffff, v1  }
0x201: {  	[tilespmem:v16+s24+$0x0] =	vst.idx.add.s32.msk $0xffff, v1  }
0x202: {  	[tilespmem:v12+s24+$0x0] =	vst.idx.add.s32.msk $0xffff, v1  }
0x203: {  	[tilespmem:v13+s24+$0x0] =	vst.idx.add.s32.msk $0xffff, v1  }
0x204: {  	_ =	sdelay $0x3  }
0x205: {  	[tilespmem:v4+s24+$0x0] =	vst.idx.add.s32.msk $0xffff, v1  }
0x206: {  	[tilespmem:v2+s24+$0x0] =	vst.idx.add.s32.msk $0xffff, v1  }
0x207: {  	[tilespmem:v3+s24+$0x0] =	vst.idx.add.s32.msk $0xffff, v1;
	s1 =	simm.s32 $0x0  }
0x208: {  	[tilespmem:s1], [sflag:$0x1] =	stream.linear.gather [hbm4b:s12+s1], $0x4000, $0x38;
	[tilespmem:$0x1C000] =	vst v63  }
0x209: {  	s0 =	simm.s32 $0x0;
	_ =	swait.ge [sflag:s25], $0x4000  }
0x20a: {  	s28 =	sand.u32 $0x3800, s1;
	s29 =	sand.u32 $0x380, s0;
	[sflag:s25] =	ssyncset.done $0x0  }
0x20b: {  	s28 =	sor.u32 s29, s28;
	[sflag:s25] =	ssyncadd.s32 $0xFFFFC000  }
0x20c: {  	v2 =	vld [tilespmem:s28+$0x4470]  }
0x20d: {  	v3 =	vld [tilespmem:s28+$0x4000]  }
0x20e: {  	v4 =	vld [tilespmem:s28+$0x4010]  }
0x20f: {  	v5 =	vld [tilespmem:s28+$0x4020]  }
0x210: {  	v6 =	vld [tilespmem:s28+$0x4030]  }
0x211: {  	v7 =	vld [tilespmem:s28+$0x4040]  }
0x212: {  	v8 =	vld [tilespmem:s28+$0x4050]  }
0x213: {  	v9 =	vld [tilespmem:s28+$0x4060]  }
0x214: {  	v10 =	vld [tilespmem:s28+$0x4070]  }
0x215: {  	v11 =	vld [tilespmem:s28+$0x4400];
	v2 =	vshrl.u32 v2, $0x10  }
0x216: {  	v12 =	vld [tilespmem:s28+$0x4420]  }
0x217: {  	v13 =	vld [tilespmem:s28+$0x4430]  }
0x218: {  	v14 =	vld [tilespmem:s28+$0x4440];
	v3 =	vshrl.u32 v3, $0x10  }
0x219: {  	v15 =	vld [tilespmem:s28+$0x4450];
	v4 =	vshrl.u32 v4, $0x10  }
0x21a: {  	v5 =	vshrl.u32 v5, $0x10;
	[tilespmem:v2+s24+$0x0] =	vst.idx.add.s32.msk $0xffff, v1  }
0x21b: {  	v6 =	vshrl.u32 v6, $0x10;
	v2 =	vld [tilespmem:s28+$0x4410]  }
0x21c: {  	v16 =	vld [tilespmem:s28+$0x4460];
	v7 =	vshrl.u32 v7, $0x10  }
0x21d: {  	v8 =	vshrl.u32 v8, $0x10;
	[tilespmem:v3+s24+$0x0] =	vst.idx.add.s32.msk $0xffff, v1  }
0x21e: {  	v3 =	vshrl.u32 v9, $0x10;
	[tilespmem:v4+s24+$0x0] =	vst.idx.add.s32.msk $0xffff, v1  }
0x21f: {  	v4 =	vshrl.u32 v10, $0x10;
	[tilespmem:v5+s24+$0x0] =	vst.idx.add.s32.msk $0xffff, v1  }
0x220: {  	[tilespmem:v6+s24+$0x0] =	vst.idx.add.s32.msk $0xffff, v1;
	v2 =	vshrl.u32 v2, $0x10  }
0x221: {  	v5 =	vshrl.u32 v11, $0x10;
	[tilespmem:v7+s24+$0x0] =	vst.idx.add.s32.msk $0xffff, v1  }
0x222: {  	v6 =	vshrl.u32 v12, $0x10;
	[tilespmem:v8+s24+$0x0] =	vst.idx.add.s32.msk $0xffff, v1  }
0x223: {  	v7 =	vshrl.u32 v13, $0x10;
	[tilespmem:v3+s24+$0x0] =	vst.idx.add.s32.msk $0xffff, v1  }
0x224: {  	[tilespmem:v4+s24+$0x0] =	vst.idx.add.s32.msk $0xffff, v1;
	v4 =	vshrl.u32 v14, $0x10  }
0x225: {  	[tilespmem:v2+s24+$0x0] =	vst.idx.add.s32.msk $0xffff, v1;
	v2 =	vshrl.u32 v15, $0x10  }
0x226: {  	[tilespmem:v5+s24+$0x0] =	vst.idx.add.s32.msk $0xffff, v1;
	v3 =	vshrl.u32 v16, $0x10  }
0x227: {  	[tilespmem:v6+s24+$0x0] =	vst.idx.add.s32.msk $0xffff, v1  }
0x228: {  	[tilespmem:v7+s24+$0x0] =	vst.idx.add.s32.msk $0xffff, v1  }
.LBB2_18:
0x229: {  	s0 =	sadd.s32 $0x10, s0;
	[tilespmem:v4+s24+$0x0] =	vst.idx.add.s32.msk $0xffff, v1;
	s1 =	sadd.s32 $0x800, s1  }
0x22a: {  	s28 =	sand.u32 $0x3800, s1;
	s29 =	sand.u32 $0x380, s0;
	p0 =	slt.u32 s0, $0x3F0;
	[tilespmem:v2+s24+$0x0] =	vst.idx.add.s32.msk $0xffff, v1  }
0x22b: {  	s28 =	sor.u32 s29, s28;
	[tilespmem:v3+s24+$0x0] =	vst.idx.add.s32.msk $0xffff, v1  }
0x22c: {  	v2 =	vld [tilespmem:s28+$0x4470]  }
0x22d: {  	v3 =	vld [tilespmem:s28+$0x4000]  }
0x22e: {  	v4 =	vld [tilespmem:s28+$0x4010]  }
0x22f: {  	v5 =	vld [tilespmem:s28+$0x4020]  }
0x230: {  	v6 =	vld [tilespmem:s28+$0x4030]  }
0x231: {  	v7 =	vld [tilespmem:s28+$0x4040];
	v2 =	vshrl.u32 v2, $0x10  }
0x232: {  	v3 =	vshrl.u32 v3, $0x10;
	v8 =	vld [tilespmem:s28+$0x4050]  }
0x233: {  	v4 =	vshrl.u32 v4, $0x10;
	v9 =	vld [tilespmem:s28+$0x4060]  }
0x234: {  	v5 =	vshrl.u32 v5, $0x10;
	v10 =	vld [tilespmem:s28+$0x4070]  }
0x235: {  	v6 =	vshrl.u32 v6, $0x10;
	v11 =	vld [tilespmem:s28+$0x4400]  }
0x236: {  	v7 =	vshrl.u32 v7, $0x10;
	[tilespmem:v2+s24+$0x0] =	vst.idx.add.s32.msk $0xffff, v1  }
0x237: {  	v8 =	vshrl.u32 v8, $0x10;
	v2 =	vld [tilespmem:s28+$0x4410]  }
0x238: {  	v9 =	vshrl.u32 v9, $0x10;
	v12 =	vld [tilespmem:s28+$0x4420]  }
0x239: {  	v10 =	vshrl.u32 v10, $0x10;
	v13 =	vld [tilespmem:s28+$0x4430]  }
0x23a: {  	v11 =	vshrl.u32 v11, $0x10;
	v14 =	vld [tilespmem:s28+$0x4440]  }
0x23b: {  	v15 =	vld [tilespmem:s28+$0x4450]  }
0x23c: {  	v16 =	vshrl.u32 v2, $0x10;
	v17 =	vld [tilespmem:s28+$0x4460]  }
0x23d: {  	[tilespmem:v3+s24+$0x0] =	vst.idx.add.s32.msk $0xffff, v1;
	v12 =	vshrl.u32 v12, $0x10  }
0x23e: {  	[tilespmem:v4+s24+$0x0] =	vst.idx.add.s32.msk $0xffff, v1;
	v13 =	vshrl.u32 v13, $0x10  }
0x23f: {  	[tilespmem:v5+s24+$0x0] =	vst.idx.add.s32.msk $0xffff, v1;
	v4 =	vshrl.u32 v14, $0x10  }
0x240: {  	[tilespmem:v6+s24+$0x0] =	vst.idx.add.s32.msk $0xffff, v1;
	v2 =	vshrl.u32 v15, $0x10  }
0x241: {  	[tilespmem:v7+s24+$0x0] =	vst.idx.add.s32.msk $0xffff, v1;
	v3 =	vshrl.u32 v17, $0x10  }
0x242: {  	[tilespmem:v8+s24+$0x0] =	vst.idx.add.s32.msk $0xffff, v1  }
0x243: {  	[tilespmem:v9+s24+$0x0] =	vst.idx.add.s32.msk $0xffff, v1  }
.Ltmp8:
0x244: {  	[tilespmem:v10+s24+$0x0] =	vst.idx.add.s32.msk $0xffff, v1;
	(pc) =	sbr.rel @p0 .LBB2_18-.Ltmp8, $4  }
0x245: {  	[tilespmem:v11+s24+$0x0] =	vst.idx.add.s32.msk $0xffff, v1  }
0x246: {  	[tilespmem:v16+s24+$0x0] =	vst.idx.add.s32.msk $0xffff, v1  }
0x247: {  	[tilespmem:v12+s24+$0x0] =	vst.idx.add.s32.msk $0xffff, v1  }
0x248: {  	[tilespmem:v13+s24+$0x0] =	vst.idx.add.s32.msk $0xffff, v1  }
0x249: {  	_ =	sdelay $0x3  }
0x24a: {  	[tilespmem:v4+s24+$0x0] =	vst.idx.add.s32.msk $0xffff, v1  }
0x24b: {  	[tilespmem:v2+s24+$0x0] =	vst.idx.add.s32.msk $0xffff, v1  }
0x24c: {  	[tilespmem:v3+s24+$0x0] =	vst.idx.add.s32.msk $0xffff, v1;
	s1 =	simm.s32 $0x0  }
0x24d: {  	[tilespmem:s21], [sflag:$0x2] =	stream.linear.gather [hbm4b:s13+s1], $0x4000, $0x38;
	[tilespmem:$0x1C000] =	vst v63  }
0x24e: {  	s0 =	simm.s32 $0x0;
	_ =	swait.ge [sflag:s26], $0x4000  }
0x24f: {  	s28 =	sand.u32 $0x3800, s1;
	s29 =	sand.u32 $0x380, s0;
	[sflag:s26] =	ssyncset.done $0x0  }
0x250: {  	s28 =	sor.u32 s29, s28;
	[sflag:s26] =	ssyncadd.s32 $0xFFFFC000  }
0x251: {  	v2 =	vld [tilespmem:s28+$0x8470]  }
0x252: {  	v3 =	vld [tilespmem:s28+$0x8000]  }
0x253: {  	v4 =	vld [tilespmem:s28+$0x8010]  }
0x254: {  	v5 =	vld [tilespmem:s28+$0x8020]  }
0x255: {  	v6 =	vld [tilespmem:s28+$0x8030]  }
0x256: {  	v7 =	vld [tilespmem:s28+$0x8040]  }
0x257: {  	v8 =	vld [tilespmem:s28+$0x8050]  }
0x258: {  	v9 =	vld [tilespmem:s28+$0x8060]  }
0x259: {  	v10 =	vld [tilespmem:s28+$0x8070]  }
0x25a: {  	v11 =	vld [tilespmem:s28+$0x8400];
	v2 =	vshrl.u32 v2, $0x10  }
0x25b: {  	v12 =	vld [tilespmem:s28+$0x8420]  }
0x25c: {  	v13 =	vld [tilespmem:s28+$0x8430]  }
0x25d: {  	v14 =	vld [tilespmem:s28+$0x8440];
	v3 =	vshrl.u32 v3, $0x10  }
0x25e: {  	v15 =	vld [tilespmem:s28+$0x8450];
	v4 =	vshrl.u32 v4, $0x10  }
0x25f: {  	v5 =	vshrl.u32 v5, $0x10;
	[tilespmem:v2+s24+$0x0] =	vst.idx.add.s32.msk $0xffff, v1  }
0x260: {  	v6 =	vshrl.u32 v6, $0x10;
	v2 =	vld [tilespmem:s28+$0x8410]  }
0x261: {  	v16 =	vld [tilespmem:s28+$0x8460];
	v7 =	vshrl.u32 v7, $0x10  }
0x262: {  	v8 =	vshrl.u32 v8, $0x10;
	[tilespmem:v3+s24+$0x0] =	vst.idx.add.s32.msk $0xffff, v1  }
0x263: {  	v3 =	vshrl.u32 v9, $0x10;
	[tilespmem:v4+s24+$0x0] =	vst.idx.add.s32.msk $0xffff, v1  }
0x264: {  	v4 =	vshrl.u32 v10, $0x10;
	[tilespmem:v5+s24+$0x0] =	vst.idx.add.s32.msk $0xffff, v1  }
0x265: {  	[tilespmem:v6+s24+$0x0] =	vst.idx.add.s32.msk $0xffff, v1;
	v2 =	vshrl.u32 v2, $0x10  }
0x266: {  	v5 =	vshrl.u32 v11, $0x10;
	[tilespmem:v7+s24+$0x0] =	vst.idx.add.s32.msk $0xffff, v1  }
0x267: {  	v6 =	vshrl.u32 v12, $0x10;
	[tilespmem:v8+s24+$0x0] =	vst.idx.add.s32.msk $0xffff, v1  }
0x268: {  	v7 =	vshrl.u32 v13, $0x10;
	[tilespmem:v3+s24+$0x0] =	vst.idx.add.s32.msk $0xffff, v1  }
0x269: {  	[tilespmem:v4+s24+$0x0] =	vst.idx.add.s32.msk $0xffff, v1;
	v4 =	vshrl.u32 v14, $0x10  }
0x26a: {  	[tilespmem:v2+s24+$0x0] =	vst.idx.add.s32.msk $0xffff, v1;
	v2 =	vshrl.u32 v15, $0x10  }
0x26b: {  	[tilespmem:v5+s24+$0x0] =	vst.idx.add.s32.msk $0xffff, v1;
	v3 =	vshrl.u32 v16, $0x10  }
0x26c: {  	[tilespmem:v6+s24+$0x0] =	vst.idx.add.s32.msk $0xffff, v1  }
0x26d: {  	[tilespmem:v7+s24+$0x0] =	vst.idx.add.s32.msk $0xffff, v1  }
.LBB2_20:
0x26e: {  	s0 =	sadd.s32 $0x10, s0;
	[tilespmem:v4+s24+$0x0] =	vst.idx.add.s32.msk $0xffff, v1;
	s1 =	sadd.s32 $0x800, s1  }
0x26f: {  	s28 =	sand.u32 $0x3800, s1;
	s29 =	sand.u32 $0x380, s0;
	p0 =	slt.u32 s0, $0x3F0;
	[tilespmem:v2+s24+$0x0] =	vst.idx.add.s32.msk $0xffff, v1  }
0x270: {  	s28 =	sor.u32 s29, s28;
	[tilespmem:v3+s24+$0x0] =	vst.idx.add.s32.msk $0xffff, v1  }
0x271: {  	v2 =	vld [tilespmem:s28+$0x8470]  }
0x272: {  	v3 =	vld [tilespmem:s28+$0x8000]  }
0x273: {  	v4 =	vld [tilespmem:s28+$0x8010]  }
0x274: {  	v5 =	vld [tilespmem:s28+$0x8020]  }
0x275: {  	v6 =	vld [tilespmem:s28+$0x8030]  }
0x276: {  	v7 =	vld [tilespmem:s28+$0x8040];
	v2 =	vshrl.u32 v2, $0x10  }
0x277: {  	v3 =	vshrl.u32 v3, $0x10;
	v8 =	vld [tilespmem:s28+$0x8050]  }
0x278: {  	v4 =	vshrl.u32 v4, $0x10;
	v9 =	vld [tilespmem:s28+$0x8060]  }
0x279: {  	v5 =	vshrl.u32 v5, $0x10;
	v10 =	vld [tilespmem:s28+$0x8070]  }
0x27a: {  	v6 =	vshrl.u32 v6, $0x10;
	v11 =	vld [tilespmem:s28+$0x8400]  }
0x27b: {  	v7 =	vshrl.u32 v7, $0x10;
	[tilespmem:v2+s24+$0x0] =	vst.idx.add.s32.msk $0xffff, v1  }
0x27c: {  	v8 =	vshrl.u32 v8, $0x10;
	v2 =	vld [tilespmem:s28+$0x8410]  }
0x27d: {  	v9 =	vshrl.u32 v9, $0x10;
	v12 =	vld [tilespmem:s28+$0x8420]  }
0x27e: {  	v10 =	vshrl.u32 v10, $0x10;
	v13 =	vld [tilespmem:s28+$0x8430]  }
0x27f: {  	v11 =	vshrl.u32 v11, $0x10;
	v14 =	vld [tilespmem:s28+$0x8440]  }
0x280: {  	v15 =	vld [tilespmem:s28+$0x8450]  }
0x281: {  	v16 =	vshrl.u32 v2, $0x10;
	v17 =	vld [tilespmem:s28+$0x8460]  }
0x282: {  	[tilespmem:v3+s24+$0x0] =	vst.idx.add.s32.msk $0xffff, v1;
	v12 =	vshrl.u32 v12, $0x10  }
0x283: {  	[tilespmem:v4+s24+$0x0] =	vst.idx.add.s32.msk $0xffff, v1;
	v13 =	vshrl.u32 v13, $0x10  }
0x284: {  	[tilespmem:v5+s24+$0x0] =	vst.idx.add.s32.msk $0xffff, v1;
	v4 =	vshrl.u32 v14, $0x10  }
0x285: {  	[tilespmem:v6+s24+$0x0] =	vst.idx.add.s32.msk $0xffff, v1;
	v2 =	vshrl.u32 v15, $0x10  }
0x286: {  	[tilespmem:v7+s24+$0x0] =	vst.idx.add.s32.msk $0xffff, v1;
	v3 =	vshrl.u32 v17, $0x10  }
0x287: {  	[tilespmem:v8+s24+$0x0] =	vst.idx.add.s32.msk $0xffff, v1  }
0x288: {  	[tilespmem:v9+s24+$0x0] =	vst.idx.add.s32.msk $0xffff, v1  }
.Ltmp9:
0x289: {  	[tilespmem:v10+s24+$0x0] =	vst.idx.add.s32.msk $0xffff, v1;
	(pc) =	sbr.rel @p0 .LBB2_20-.Ltmp9, $4  }
0x28a: {  	[tilespmem:v11+s24+$0x0] =	vst.idx.add.s32.msk $0xffff, v1  }
0x28b: {  	[tilespmem:v16+s24+$0x0] =	vst.idx.add.s32.msk $0xffff, v1  }
0x28c: {  	[tilespmem:v12+s24+$0x0] =	vst.idx.add.s32.msk $0xffff, v1  }
0x28d: {  	[tilespmem:v13+s24+$0x0] =	vst.idx.add.s32.msk $0xffff, v1  }
0x28e: {  	_ =	sdelay $0x3  }
0x28f: {  	[tilespmem:v4+s24+$0x0] =	vst.idx.add.s32.msk $0xffff, v1  }
0x290: {  	[tilespmem:v2+s24+$0x0] =	vst.idx.add.s32.msk $0xffff, v1  }
0x291: {  	[tilespmem:v3+s24+$0x0] =	vst.idx.add.s32.msk $0xffff, v1;
	s1 =	simm.s32 $0x0  }
0x292: {  	[tilespmem:s22], [sflag:$0x3] =	stream.linear.gather [hbm4b:s14+s1], $0x4000, $0x38;
	[tilespmem:$0x1C000] =	vst v63  }
0x293: {  	s0 =	simm.s32 $0x0;
	_ =	swait.ge [sflag:s23], $0x4000  }
0x294: {  	s28 =	sand.u32 $0x3800, s1;
	s29 =	sand.u32 $0x380, s0;
	[sflag:s23] =	ssyncset.done $0x0  }
0x295: {  	s28 =	sor.u32 s29, s28;
	[sflag:s23] =	ssyncadd.s32 $0xFFFFC000  }
0x296: {  	v2 =	vld [tilespmem:s28+$0x470]  }
0x297: {  	v3 =	vld [tilespmem:s28+$0x0]  }
0x298: {  	v4 =	vld [tilespmem:s28+$0x10]  }
0x299: {  	v5 =	vld [tilespmem:s28+$0x20]  }
0x29a: {  	v6 =	vld [tilespmem:s28+$0x30]  }
0x29b: {  	v7 =	vld [tilespmem:s28+$0x40]  }
0x29c: {  	v8 =	vld [tilespmem:s28+$0x50]  }
0x29d: {  	v9 =	vld [tilespmem:s28+$0x60]  }
0x29e: {  	v10 =	vld [tilespmem:s28+$0x70]  }
0x29f: {  	v11 =	vld [tilespmem:s28+$0x400];
	v2 =	vshrl.u32 v2, $0x10  }
0x2a0: {  	v12 =	vld [tilespmem:s28+$0x420]  }
0x2a1: {  	v13 =	vld [tilespmem:s28+$0x430]  }
0x2a2: {  	v14 =	vld [tilespmem:s28+$0x440];
	v3 =	vshrl.u32 v3, $0x10  }
0x2a3: {  	v15 =	vld [tilespmem:s28+$0x450];
	v4 =	vshrl.u32 v4, $0x10  }
0x2a4: {  	v5 =	vshrl.u32 v5, $0x10;
	[tilespmem:v2+s24+$0x0] =	vst.idx.add.s32.msk $0xffff, v1  }
0x2a5: {  	v6 =	vshrl.u32 v6, $0x10;
	v2 =	vld [tilespmem:s28+$0x410]  }
0x2a6: {  	v16 =	vld [tilespmem:s28+$0x460];
	v7 =	vshrl.u32 v7, $0x10  }
0x2a7: {  	v8 =	vshrl.u32 v8, $0x10;
	[tilespmem:v3+s24+$0x0] =	vst.idx.add.s32.msk $0xffff, v1  }
0x2a8: {  	v3 =	vshrl.u32 v9, $0x10;
	[tilespmem:v4+s24+$0x0] =	vst.idx.add.s32.msk $0xffff, v1  }
0x2a9: {  	v4 =	vshrl.u32 v10, $0x10;
	[tilespmem:v5+s24+$0x0] =	vst.idx.add.s32.msk $0xffff, v1  }
0x2aa: {  	[tilespmem:v6+s24+$0x0] =	vst.idx.add.s32.msk $0xffff, v1;
	v2 =	vshrl.u32 v2, $0x10  }
0x2ab: {  	v5 =	vshrl.u32 v11, $0x10;
	[tilespmem:v7+s24+$0x0] =	vst.idx.add.s32.msk $0xffff, v1  }
0x2ac: {  	v6 =	vshrl.u32 v12, $0x10;
	[tilespmem:v8+s24+$0x0] =	vst.idx.add.s32.msk $0xffff, v1  }
0x2ad: {  	v7 =	vshrl.u32 v13, $0x10;
	[tilespmem:v3+s24+$0x0] =	vst.idx.add.s32.msk $0xffff, v1  }
0x2ae: {  	[tilespmem:v4+s24+$0x0] =	vst.idx.add.s32.msk $0xffff, v1;
	v4 =	vshrl.u32 v14, $0x10  }
0x2af: {  	[tilespmem:v2+s24+$0x0] =	vst.idx.add.s32.msk $0xffff, v1;
	v2 =	vshrl.u32 v15, $0x10  }
0x2b0: {  	[tilespmem:v5+s24+$0x0] =	vst.idx.add.s32.msk $0xffff, v1;
	v3 =	vshrl.u32 v16, $0x10  }
0x2b1: {  	[tilespmem:v6+s24+$0x0] =	vst.idx.add.s32.msk $0xffff, v1  }
0x2b2: {  	[tilespmem:v7+s24+$0x0] =	vst.idx.add.s32.msk $0xffff, v1  }
.LBB2_22:
0x2b3: {  	s0 =	sadd.s32 $0x10, s0;
	[tilespmem:v4+s24+$0x0] =	vst.idx.add.s32.msk $0xffff, v1;
	s1 =	sadd.s32 $0x800, s1  }
0x2b4: {  	s28 =	sand.u32 $0x3800, s1;
	s29 =	sand.u32 $0x380, s0;
	p0 =	slt.u32 s0, $0x3F0;
	[tilespmem:v2+s24+$0x0] =	vst.idx.add.s32.msk $0xffff, v1  }
0x2b5: {  	s28 =	sor.u32 s29, s28;
	[tilespmem:v3+s24+$0x0] =	vst.idx.add.s32.msk $0xffff, v1  }
0x2b6: {  	v2 =	vld [tilespmem:s28+$0x470]  }
0x2b7: {  	v3 =	vld [tilespmem:s28+$0x0]  }
0x2b8: {  	v4 =	vld [tilespmem:s28+$0x10]  }
0x2b9: {  	v5 =	vld [tilespmem:s28+$0x20]  }
0x2ba: {  	v6 =	vld [tilespmem:s28+$0x30]  }
0x2bb: {  	v7 =	vld [tilespmem:s28+$0x40];
	v2 =	vshrl.u32 v2, $0x10  }
0x2bc: {  	v3 =	vshrl.u32 v3, $0x10;
	v8 =	vld [tilespmem:s28+$0x50]  }
0x2bd: {  	v4 =	vshrl.u32 v4, $0x10;
	v9 =	vld [tilespmem:s28+$0x60]  }
0x2be: {  	v5 =	vshrl.u32 v5, $0x10;
	v10 =	vld [tilespmem:s28+$0x70]  }
0x2bf: {  	v6 =	vshrl.u32 v6, $0x10;
	v11 =	vld [tilespmem:s28+$0x400]  }
0x2c0: {  	v7 =	vshrl.u32 v7, $0x10;
	[tilespmem:v2+s24+$0x0] =	vst.idx.add.s32.msk $0xffff, v1  }
0x2c1: {  	v8 =	vshrl.u32 v8, $0x10;
	v2 =	vld [tilespmem:s28+$0x410]  }
0x2c2: {  	v9 =	vshrl.u32 v9, $0x10;
	v12 =	vld [tilespmem:s28+$0x420]  }
0x2c3: {  	v10 =	vshrl.u32 v10, $0x10;
	v13 =	vld [tilespmem:s28+$0x430]  }
0x2c4: {  	v11 =	vshrl.u32 v11, $0x10;
	v14 =	vld [tilespmem:s28+$0x440]  }
0x2c5: {  	v15 =	vld [tilespmem:s28+$0x450]  }
0x2c6: {  	v16 =	vshrl.u32 v2, $0x10;
	v17 =	vld [tilespmem:s28+$0x460]  }
0x2c7: {  	[tilespmem:v3+s24+$0x0] =	vst.idx.add.s32.msk $0xffff, v1;
	v12 =	vshrl.u32 v12, $0x10  }
0x2c8: {  	[tilespmem:v4+s24+$0x0] =	vst.idx.add.s32.msk $0xffff, v1;
	v13 =	vshrl.u32 v13, $0x10  }
0x2c9: {  	[tilespmem:v5+s24+$0x0] =	vst.idx.add.s32.msk $0xffff, v1;
	v4 =	vshrl.u32 v14, $0x10  }
0x2ca: {  	[tilespmem:v6+s24+$0x0] =	vst.idx.add.s32.msk $0xffff, v1;
	v2 =	vshrl.u32 v15, $0x10  }
0x2cb: {  	[tilespmem:v7+s24+$0x0] =	vst.idx.add.s32.msk $0xffff, v1;
	v3 =	vshrl.u32 v17, $0x10  }
0x2cc: {  	[tilespmem:v8+s24+$0x0] =	vst.idx.add.s32.msk $0xffff, v1  }
0x2cd: {  	[tilespmem:v9+s24+$0x0] =	vst.idx.add.s32.msk $0xffff, v1  }
.Ltmp10:
0x2ce: {  	[tilespmem:v10+s24+$0x0] =	vst.idx.add.s32.msk $0xffff, v1;
	(pc) =	sbr.rel @p0 .LBB2_22-.Ltmp10, $4  }
0x2cf: {  	[tilespmem:v11+s24+$0x0] =	vst.idx.add.s32.msk $0xffff, v1  }
0x2d0: {  	[tilespmem:v16+s24+$0x0] =	vst.idx.add.s32.msk $0xffff, v1  }
0x2d1: {  	[tilespmem:v12+s24+$0x0] =	vst.idx.add.s32.msk $0xffff, v1  }
0x2d2: {  	[tilespmem:v13+s24+$0x0] =	vst.idx.add.s32.msk $0xffff, v1  }
0x2d3: {  	_ =	sdelay $0x3  }
0x2d4: {  	[tilespmem:v4+s24+$0x0] =	vst.idx.add.s32.msk $0xffff, v1  }
0x2d5: {  	[tilespmem:v2+s24+$0x0] =	vst.idx.add.s32.msk $0xffff, v1  }
0x2d6: {  	[tilespmem:v3+s24+$0x0] =	vst.idx.add.s32.msk $0xffff, v1;
	s1 =	simm.s32 $0x0  }
0x2d7: {  	[tilespmem:s1], [sflag:$0x1] =	stream.linear.gather [hbm4b:s15+s1], $0x4000, $0x38;
	[tilespmem:$0x1C000] =	vst v63  }
0x2d8: {  	s0 =	simm.s32 $0x0;
	_ =	swait.ge [sflag:s25], $0x4000  }
0x2d9: {  	s28 =	sand.u32 $0x3800, s1;
	s29 =	sand.u32 $0x380, s0;
	[sflag:s25] =	ssyncset.done $0x0  }
0x2da: {  	s28 =	sor.u32 s29, s28;
	[sflag:s25] =	ssyncadd.s32 $0xFFFFC000  }
0x2db: {  	v2 =	vld [tilespmem:s28+$0x4470]  }
0x2dc: {  	v3 =	vld [tilespmem:s28+$0x4000]  }
0x2dd: {  	v4 =	vld [tilespmem:s28+$0x4010]  }
0x2de: {  	v5 =	vld [tilespmem:s28+$0x4020]  }
0x2df: {  	v6 =	vld [tilespmem:s28+$0x4030]  }
0x2e0: {  	v7 =	vld [tilespmem:s28+$0x4040]  }
0x2e1: {  	v8 =	vld [tilespmem:s28+$0x4050]  }
0x2e2: {  	v9 =	vld [tilespmem:s28+$0x4060]  }
0x2e3: {  	v10 =	vld [tilespmem:s28+$0x4070]  }
0x2e4: {  	v11 =	vld [tilespmem:s28+$0x4400];
	v2 =	vshrl.u32 v2, $0x10  }
0x2e5: {  	v12 =	vld [tilespmem:s28+$0x4420]  }
0x2e6: {  	v13 =	vld [tilespmem:s28+$0x4430]  }
0x2e7: {  	v14 =	vld [tilespmem:s28+$0x4440];
	v3 =	vshrl.u32 v3, $0x10  }
0x2e8: {  	v15 =	vld [tilespmem:s28+$0x4450];
	v4 =	vshrl.u32 v4, $0x10  }
0x2e9: {  	v5 =	vshrl.u32 v5, $0x10;
	[tilespmem:v2+s24+$0x0] =	vst.idx.add.s32.msk $0xffff, v1  }
0x2ea: {  	v6 =	vshrl.u32 v6, $0x10;
	v2 =	vld [tilespmem:s28+$0x4410]  }
0x2eb: {  	v16 =	vld [tilespmem:s28+$0x4460];
	v7 =	vshrl.u32 v7, $0x10  }
0x2ec: {  	v8 =	vshrl.u32 v8, $0x10;
	[tilespmem:v3+s24+$0x0] =	vst.idx.add.s32.msk $0xffff, v1  }
0x2ed: {  	v3 =	vshrl.u32 v9, $0x10;
	[tilespmem:v4+s24+$0x0] =	vst.idx.add.s32.msk $0xffff, v1  }
0x2ee: {  	v4 =	vshrl.u32 v10, $0x10;
	[tilespmem:v5+s24+$0x0] =	vst.idx.add.s32.msk $0xffff, v1  }
0x2ef: {  	[tilespmem:v6+s24+$0x0] =	vst.idx.add.s32.msk $0xffff, v1;
	v2 =	vshrl.u32 v2, $0x10  }
0x2f0: {  	v5 =	vshrl.u32 v11, $0x10;
	[tilespmem:v7+s24+$0x0] =	vst.idx.add.s32.msk $0xffff, v1  }
0x2f1: {  	v6 =	vshrl.u32 v12, $0x10;
	[tilespmem:v8+s24+$0x0] =	vst.idx.add.s32.msk $0xffff, v1  }
0x2f2: {  	v7 =	vshrl.u32 v13, $0x10;
	[tilespmem:v3+s24+$0x0] =	vst.idx.add.s32.msk $0xffff, v1  }
0x2f3: {  	[tilespmem:v4+s24+$0x0] =	vst.idx.add.s32.msk $0xffff, v1;
	v4 =	vshrl.u32 v14, $0x10  }
0x2f4: {  	[tilespmem:v2+s24+$0x0] =	vst.idx.add.s32.msk $0xffff, v1;
	v2 =	vshrl.u32 v15, $0x10  }
0x2f5: {  	[tilespmem:v5+s24+$0x0] =	vst.idx.add.s32.msk $0xffff, v1;
	v3 =	vshrl.u32 v16, $0x10  }
0x2f6: {  	[tilespmem:v6+s24+$0x0] =	vst.idx.add.s32.msk $0xffff, v1  }
0x2f7: {  	[tilespmem:v7+s24+$0x0] =	vst.idx.add.s32.msk $0xffff, v1  }
.LBB2_24:
0x2f8: {  	s0 =	sadd.s32 $0x10, s0;
	[tilespmem:v4+s24+$0x0] =	vst.idx.add.s32.msk $0xffff, v1;
	s1 =	sadd.s32 $0x800, s1  }
0x2f9: {  	s28 =	sand.u32 $0x3800, s1;
	s29 =	sand.u32 $0x380, s0;
	p0 =	slt.u32 s0, $0x3F0;
	[tilespmem:v2+s24+$0x0] =	vst.idx.add.s32.msk $0xffff, v1  }
0x2fa: {  	s28 =	sor.u32 s29, s28;
	[tilespmem:v3+s24+$0x0] =	vst.idx.add.s32.msk $0xffff, v1  }
0x2fb: {  	v2 =	vld [tilespmem:s28+$0x4470]  }
0x2fc: {  	v3 =	vld [tilespmem:s28+$0x4000]  }
0x2fd: {  	v4 =	vld [tilespmem:s28+$0x4010]  }
0x2fe: {  	v5 =	vld [tilespmem:s28+$0x4020]  }
0x2ff: {  	v6 =	vld [tilespmem:s28+$0x4030]  }
0x300: {  	v7 =	vld [tilespmem:s28+$0x4040];
	v2 =	vshrl.u32 v2, $0x10  }
0x301: {  	v3 =	vshrl.u32 v3, $0x10;
	v8 =	vld [tilespmem:s28+$0x4050]  }
0x302: {  	v4 =	vshrl.u32 v4, $0x10;
	v9 =	vld [tilespmem:s28+$0x4060]  }
0x303: {  	v5 =	vshrl.u32 v5, $0x10;
	v10 =	vld [tilespmem:s28+$0x4070]  }
0x304: {  	v6 =	vshrl.u32 v6, $0x10;
	v11 =	vld [tilespmem:s28+$0x4400]  }
0x305: {  	v7 =	vshrl.u32 v7, $0x10;
	[tilespmem:v2+s24+$0x0] =	vst.idx.add.s32.msk $0xffff, v1  }
0x306: {  	v8 =	vshrl.u32 v8, $0x10;
	v2 =	vld [tilespmem:s28+$0x4410]  }
0x307: {  	v9 =	vshrl.u32 v9, $0x10;
	v12 =	vld [tilespmem:s28+$0x4420]  }
0x308: {  	v10 =	vshrl.u32 v10, $0x10;
	v13 =	vld [tilespmem:s28+$0x4430]  }
0x309: {  	v11 =	vshrl.u32 v11, $0x10;
	v14 =	vld [tilespmem:s28+$0x4440]  }
0x30a: {  	v15 =	vld [tilespmem:s28+$0x4450]  }
0x30b: {  	v16 =	vshrl.u32 v2, $0x10;
	v17 =	vld [tilespmem:s28+$0x4460]  }
0x30c: {  	[tilespmem:v3+s24+$0x0] =	vst.idx.add.s32.msk $0xffff, v1;
	v12 =	vshrl.u32 v12, $0x10  }
0x30d: {  	[tilespmem:v4+s24+$0x0] =	vst.idx.add.s32.msk $0xffff, v1;
	v13 =	vshrl.u32 v13, $0x10  }
0x30e: {  	[tilespmem:v5+s24+$0x0] =	vst.idx.add.s32.msk $0xffff, v1;
	v4 =	vshrl.u32 v14, $0x10  }
0x30f: {  	[tilespmem:v6+s24+$0x0] =	vst.idx.add.s32.msk $0xffff, v1;
	v2 =	vshrl.u32 v15, $0x10  }
0x310: {  	[tilespmem:v7+s24+$0x0] =	vst.idx.add.s32.msk $0xffff, v1;
	v3 =	vshrl.u32 v17, $0x10  }
0x311: {  	[tilespmem:v8+s24+$0x0] =	vst.idx.add.s32.msk $0xffff, v1  }
0x312: {  	[tilespmem:v9+s24+$0x0] =	vst.idx.add.s32.msk $0xffff, v1  }
.Ltmp11:
0x313: {  	[tilespmem:v10+s24+$0x0] =	vst.idx.add.s32.msk $0xffff, v1;
	(pc) =	sbr.rel @p0 .LBB2_24-.Ltmp11, $4  }
0x314: {  	[tilespmem:v11+s24+$0x0] =	vst.idx.add.s32.msk $0xffff, v1  }
0x315: {  	[tilespmem:v16+s24+$0x0] =	vst.idx.add.s32.msk $0xffff, v1  }
0x316: {  	[tilespmem:v12+s24+$0x0] =	vst.idx.add.s32.msk $0xffff, v1  }
0x317: {  	[tilespmem:v13+s24+$0x0] =	vst.idx.add.s32.msk $0xffff, v1  }
0x318: {  	_ =	sdelay $0x3  }
0x319: {  	[tilespmem:v4+s24+$0x0] =	vst.idx.add.s32.msk $0xffff, v1  }
0x31a: {  	[tilespmem:v2+s24+$0x0] =	vst.idx.add.s32.msk $0xffff, v1  }
0x31b: {  	[tilespmem:v3+s24+$0x0] =	vst.idx.add.s32.msk $0xffff, v1;
	s1 =	simm.s32 $0x0  }
0x31c: {  	[tilespmem:s21], [sflag:$0x2] =	stream.linear.gather [hbm4b:s16+s1], $0x4000, $0x38;
	[tilespmem:$0x1C000] =	vst v63  }
0x31d: {  	s0 =	simm.s32 $0x0;
	_ =	swait.ge [sflag:s26], $0x4000  }
0x31e: {  	s28 =	sand.u32 $0x3800, s1;
	s29 =	sand.u32 $0x380, s0;
	[sflag:s26] =	ssyncset.done $0x0  }
0x31f: {  	s28 =	sor.u32 s29, s28;
	[sflag:s26] =	ssyncadd.s32 $0xFFFFC000  }
0x320: {  	v2 =	vld [tilespmem:s28+$0x8470]  }
0x321: {  	v3 =	vld [tilespmem:s28+$0x8000]  }
0x322: {  	v4 =	vld [tilespmem:s28+$0x8010]  }
0x323: {  	v5 =	vld [tilespmem:s28+$0x8020]  }
0x324: {  	v6 =	vld [tilespmem:s28+$0x8030]  }
0x325: {  	v7 =	vld [tilespmem:s28+$0x8040]  }
0x326: {  	v8 =	vld [tilespmem:s28+$0x8050]  }
0x327: {  	v9 =	vld [tilespmem:s28+$0x8060]  }
0x328: {  	v10 =	vld [tilespmem:s28+$0x8070]  }
0x329: {  	v11 =	vld [tilespmem:s28+$0x8400];
	v2 =	vshrl.u32 v2, $0x10  }
0x32a: {  	v12 =	vld [tilespmem:s28+$0x8420]  }
0x32b: {  	v13 =	vld [tilespmem:s28+$0x8430]  }
0x32c: {  	v14 =	vld [tilespmem:s28+$0x8440];
	v3 =	vshrl.u32 v3, $0x10  }
0x32d: {  	v15 =	vld [tilespmem:s28+$0x8450];
	v4 =	vshrl.u32 v4, $0x10  }
0x32e: {  	v5 =	vshrl.u32 v5, $0x10;
	[tilespmem:v2+s24+$0x0] =	vst.idx.add.s32.msk $0xffff, v1  }
0x32f: {  	v6 =	vshrl.u32 v6, $0x10;
	v2 =	vld [tilespmem:s28+$0x8410]  }
0x330: {  	v16 =	vld [tilespmem:s28+$0x8460];
	v7 =	vshrl.u32 v7, $0x10  }
0x331: {  	v8 =	vshrl.u32 v8, $0x10;
	[tilespmem:v3+s24+$0x0] =	vst.idx.add.s32.msk $0xffff, v1  }
0x332: {  	v3 =	vshrl.u32 v9, $0x10;
	[tilespmem:v4+s24+$0x0] =	vst.idx.add.s32.msk $0xffff, v1  }
0x333: {  	v4 =	vshrl.u32 v10, $0x10;
	[tilespmem:v5+s24+$0x0] =	vst.idx.add.s32.msk $0xffff, v1  }
0x334: {  	[tilespmem:v6+s24+$0x0] =	vst.idx.add.s32.msk $0xffff, v1;
	v2 =	vshrl.u32 v2, $0x10  }
0x335: {  	v5 =	vshrl.u32 v11, $0x10;
	[tilespmem:v7+s24+$0x0] =	vst.idx.add.s32.msk $0xffff, v1  }
0x336: {  	v6 =	vshrl.u32 v12, $0x10;
	[tilespmem:v8+s24+$0x0] =	vst.idx.add.s32.msk $0xffff, v1  }
0x337: {  	v7 =	vshrl.u32 v13, $0x10;
	[tilespmem:v3+s24+$0x0] =	vst.idx.add.s32.msk $0xffff, v1  }
0x338: {  	[tilespmem:v4+s24+$0x0] =	vst.idx.add.s32.msk $0xffff, v1;
	v4 =	vshrl.u32 v14, $0x10  }
0x339: {  	[tilespmem:v2+s24+$0x0] =	vst.idx.add.s32.msk $0xffff, v1;
	v2 =	vshrl.u32 v15, $0x10  }
0x33a: {  	[tilespmem:v5+s24+$0x0] =	vst.idx.add.s32.msk $0xffff, v1;
	v3 =	vshrl.u32 v16, $0x10  }
0x33b: {  	[tilespmem:v6+s24+$0x0] =	vst.idx.add.s32.msk $0xffff, v1  }
0x33c: {  	[tilespmem:v7+s24+$0x0] =	vst.idx.add.s32.msk $0xffff, v1  }
.LBB2_26:
0x33d: {  	s0 =	sadd.s32 $0x10, s0;
	[tilespmem:v4+s24+$0x0] =	vst.idx.add.s32.msk $0xffff, v1;
	s1 =	sadd.s32 $0x800, s1  }
0x33e: {  	s28 =	sand.u32 $0x3800, s1;
	s29 =	sand.u32 $0x380, s0;
	p0 =	slt.u32 s0, $0x3F0;
	[tilespmem:v2+s24+$0x0] =	vst.idx.add.s32.msk $0xffff, v1  }
0x33f: {  	s28 =	sor.u32 s29, s28;
	[tilespmem:v3+s24+$0x0] =	vst.idx.add.s32.msk $0xffff, v1  }
0x340: {  	v2 =	vld [tilespmem:s28+$0x8470]  }
0x341: {  	v3 =	vld [tilespmem:s28+$0x8000]  }
0x342: {  	v4 =	vld [tilespmem:s28+$0x8010]  }
0x343: {  	v5 =	vld [tilespmem:s28+$0x8020]  }
0x344: {  	v6 =	vld [tilespmem:s28+$0x8030]  }
0x345: {  	v7 =	vld [tilespmem:s28+$0x8040];
	v2 =	vshrl.u32 v2, $0x10  }
0x346: {  	v3 =	vshrl.u32 v3, $0x10;
	v8 =	vld [tilespmem:s28+$0x8050]  }
0x347: {  	v4 =	vshrl.u32 v4, $0x10;
	v9 =	vld [tilespmem:s28+$0x8060]  }
0x348: {  	v5 =	vshrl.u32 v5, $0x10;
	v10 =	vld [tilespmem:s28+$0x8070]  }
0x349: {  	v6 =	vshrl.u32 v6, $0x10;
	v11 =	vld [tilespmem:s28+$0x8400]  }
0x34a: {  	v7 =	vshrl.u32 v7, $0x10;
	[tilespmem:v2+s24+$0x0] =	vst.idx.add.s32.msk $0xffff, v1  }
0x34b: {  	v8 =	vshrl.u32 v8, $0x10;
	v2 =	vld [tilespmem:s28+$0x8410]  }
0x34c: {  	v9 =	vshrl.u32 v9, $0x10;
	v12 =	vld [tilespmem:s28+$0x8420]  }
0x34d: {  	v10 =	vshrl.u32 v10, $0x10;
	v13 =	vld [tilespmem:s28+$0x8430]  }
0x34e: {  	v11 =	vshrl.u32 v11, $0x10;
	v14 =	vld [tilespmem:s28+$0x8440]  }
0x34f: {  	v15 =	vld [tilespmem:s28+$0x8450]  }
0x350: {  	v16 =	vshrl.u32 v2, $0x10;
	v17 =	vld [tilespmem:s28+$0x8460]  }
0x351: {  	[tilespmem:v3+s24+$0x0] =	vst.idx.add.s32.msk $0xffff, v1;
	v12 =	vshrl.u32 v12, $0x10  }
0x352: {  	[tilespmem:v4+s24+$0x0] =	vst.idx.add.s32.msk $0xffff, v1;
	v13 =	vshrl.u32 v13, $0x10  }
0x353: {  	[tilespmem:v5+s24+$0x0] =	vst.idx.add.s32.msk $0xffff, v1;
	v4 =	vshrl.u32 v14, $0x10  }
0x354: {  	[tilespmem:v6+s24+$0x0] =	vst.idx.add.s32.msk $0xffff, v1;
	v2 =	vshrl.u32 v15, $0x10  }
0x355: {  	[tilespmem:v7+s24+$0x0] =	vst.idx.add.s32.msk $0xffff, v1;
	v3 =	vshrl.u32 v17, $0x10  }
0x356: {  	[tilespmem:v8+s24+$0x0] =	vst.idx.add.s32.msk $0xffff, v1  }
0x357: {  	[tilespmem:v9+s24+$0x0] =	vst.idx.add.s32.msk $0xffff, v1  }
.Ltmp12:
0x358: {  	[tilespmem:v10+s24+$0x0] =	vst.idx.add.s32.msk $0xffff, v1;
	(pc) =	sbr.rel @p0 .LBB2_26-.Ltmp12, $4  }
0x359: {  	[tilespmem:v11+s24+$0x0] =	vst.idx.add.s32.msk $0xffff, v1  }
0x35a: {  	[tilespmem:v16+s24+$0x0] =	vst.idx.add.s32.msk $0xffff, v1  }
0x35b: {  	[tilespmem:v12+s24+$0x0] =	vst.idx.add.s32.msk $0xffff, v1  }
0x35c: {  	[tilespmem:v13+s24+$0x0] =	vst.idx.add.s32.msk $0xffff, v1  }
0x35d: {  	_ =	sdelay $0x3  }
0x35e: {  	[tilespmem:v4+s24+$0x0] =	vst.idx.add.s32.msk $0xffff, v1  }
0x35f: {  	[tilespmem:v2+s24+$0x0] =	vst.idx.add.s32.msk $0xffff, v1  }
0x360: {  	[tilespmem:v3+s24+$0x0] =	vst.idx.add.s32.msk $0xffff, v1;
	s1 =	simm.s32 $0x0  }
0x361: {  	[tilespmem:s22], [sflag:$0x3] =	stream.linear.gather [hbm4b:s17+s1], $0x4000, $0x38;
	[tilespmem:$0x1C000] =	vst v63  }
0x362: {  	s0 =	simm.s32 $0x0;
	_ =	swait.ge [sflag:s23], $0x4000  }
0x363: {  	s28 =	sand.u32 $0x3800, s1;
	s29 =	sand.u32 $0x380, s0;
	[sflag:s23] =	ssyncset.done $0x0  }
0x364: {  	s28 =	sor.u32 s29, s28;
	[sflag:s23] =	ssyncadd.s32 $0xFFFFC000  }
0x365: {  	v2 =	vld [tilespmem:s28+$0x470]  }
0x366: {  	v3 =	vld [tilespmem:s28+$0x0]  }
0x367: {  	v4 =	vld [tilespmem:s28+$0x10]  }
0x368: {  	v5 =	vld [tilespmem:s28+$0x20]  }
0x369: {  	v6 =	vld [tilespmem:s28+$0x30]  }
0x36a: {  	v7 =	vld [tilespmem:s28+$0x40]  }
0x36b: {  	v8 =	vld [tilespmem:s28+$0x50]  }
0x36c: {  	v9 =	vld [tilespmem:s28+$0x60]  }
0x36d: {  	v10 =	vld [tilespmem:s28+$0x70]  }
0x36e: {  	v11 =	vld [tilespmem:s28+$0x400];
	v2 =	vshrl.u32 v2, $0x10  }
0x36f: {  	v12 =	vld [tilespmem:s28+$0x420]  }
0x370: {  	v13 =	vld [tilespmem:s28+$0x430]  }
0x371: {  	v14 =	vld [tilespmem:s28+$0x440];
	v3 =	vshrl.u32 v3, $0x10  }
0x372: {  	v15 =	vld [tilespmem:s28+$0x450];
	v4 =	vshrl.u32 v4, $0x10  }
0x373: {  	v5 =	vshrl.u32 v5, $0x10;
	[tilespmem:v2+s24+$0x0] =	vst.idx.add.s32.msk $0xffff, v1  }
0x374: {  	v6 =	vshrl.u32 v6, $0x10;
	v2 =	vld [tilespmem:s28+$0x410]  }
0x375: {  	v16 =	vld [tilespmem:s28+$0x460];
	v7 =	vshrl.u32 v7, $0x10  }
0x376: {  	v8 =	vshrl.u32 v8, $0x10;
	[tilespmem:v3+s24+$0x0] =	vst.idx.add.s32.msk $0xffff, v1  }
0x377: {  	v3 =	vshrl.u32 v9, $0x10;
	[tilespmem:v4+s24+$0x0] =	vst.idx.add.s32.msk $0xffff, v1  }
0x378: {  	v4 =	vshrl.u32 v10, $0x10;
	[tilespmem:v5+s24+$0x0] =	vst.idx.add.s32.msk $0xffff, v1  }
0x379: {  	[tilespmem:v6+s24+$0x0] =	vst.idx.add.s32.msk $0xffff, v1;
	v2 =	vshrl.u32 v2, $0x10  }
0x37a: {  	v5 =	vshrl.u32 v11, $0x10;
	[tilespmem:v7+s24+$0x0] =	vst.idx.add.s32.msk $0xffff, v1  }
0x37b: {  	v6 =	vshrl.u32 v12, $0x10;
	[tilespmem:v8+s24+$0x0] =	vst.idx.add.s32.msk $0xffff, v1  }
0x37c: {  	v7 =	vshrl.u32 v13, $0x10;
	[tilespmem:v3+s24+$0x0] =	vst.idx.add.s32.msk $0xffff, v1  }
0x37d: {  	[tilespmem:v4+s24+$0x0] =	vst.idx.add.s32.msk $0xffff, v1;
	v4 =	vshrl.u32 v14, $0x10  }
0x37e: {  	[tilespmem:v2+s24+$0x0] =	vst.idx.add.s32.msk $0xffff, v1;
	v2 =	vshrl.u32 v15, $0x10  }
0x37f: {  	[tilespmem:v5+s24+$0x0] =	vst.idx.add.s32.msk $0xffff, v1;
	v3 =	vshrl.u32 v16, $0x10  }
0x380: {  	[tilespmem:v6+s24+$0x0] =	vst.idx.add.s32.msk $0xffff, v1  }
0x381: {  	[tilespmem:v7+s24+$0x0] =	vst.idx.add.s32.msk $0xffff, v1  }
.LBB2_28:
0x382: {  	s0 =	sadd.s32 $0x10, s0;
	[tilespmem:v4+s24+$0x0] =	vst.idx.add.s32.msk $0xffff, v1;
	s1 =	sadd.s32 $0x800, s1  }
0x383: {  	s28 =	sand.u32 $0x3800, s1;
	s29 =	sand.u32 $0x380, s0;
	p0 =	slt.u32 s0, $0x3F0;
	[tilespmem:v2+s24+$0x0] =	vst.idx.add.s32.msk $0xffff, v1  }
0x384: {  	s28 =	sor.u32 s29, s28;
	[tilespmem:v3+s24+$0x0] =	vst.idx.add.s32.msk $0xffff, v1  }
0x385: {  	v2 =	vld [tilespmem:s28+$0x470]  }
0x386: {  	v3 =	vld [tilespmem:s28+$0x0]  }
0x387: {  	v4 =	vld [tilespmem:s28+$0x10]  }
0x388: {  	v5 =	vld [tilespmem:s28+$0x20]  }
0x389: {  	v6 =	vld [tilespmem:s28+$0x30]  }
0x38a: {  	v7 =	vld [tilespmem:s28+$0x40];
	v2 =	vshrl.u32 v2, $0x10  }
0x38b: {  	v3 =	vshrl.u32 v3, $0x10;
	v8 =	vld [tilespmem:s28+$0x50]  }
0x38c: {  	v4 =	vshrl.u32 v4, $0x10;
	v9 =	vld [tilespmem:s28+$0x60]  }
0x38d: {  	v5 =	vshrl.u32 v5, $0x10;
	v10 =	vld [tilespmem:s28+$0x70]  }
0x38e: {  	v6 =	vshrl.u32 v6, $0x10;
	v11 =	vld [tilespmem:s28+$0x400]  }
0x38f: {  	v7 =	vshrl.u32 v7, $0x10;
	[tilespmem:v2+s24+$0x0] =	vst.idx.add.s32.msk $0xffff, v1  }
0x390: {  	v8 =	vshrl.u32 v8, $0x10;
	v2 =	vld [tilespmem:s28+$0x410]  }
0x391: {  	v9 =	vshrl.u32 v9, $0x10;
	v12 =	vld [tilespmem:s28+$0x420]  }
0x392: {  	v10 =	vshrl.u32 v10, $0x10;
	v13 =	vld [tilespmem:s28+$0x430]  }
0x393: {  	v11 =	vshrl.u32 v11, $0x10;
	v14 =	vld [tilespmem:s28+$0x440]  }
0x394: {  	v15 =	vld [tilespmem:s28+$0x450]  }
0x395: {  	v16 =	vshrl.u32 v2, $0x10;
	v17 =	vld [tilespmem:s28+$0x460]  }
0x396: {  	[tilespmem:v3+s24+$0x0] =	vst.idx.add.s32.msk $0xffff, v1;
	v12 =	vshrl.u32 v12, $0x10  }
0x397: {  	[tilespmem:v4+s24+$0x0] =	vst.idx.add.s32.msk $0xffff, v1;
	v13 =	vshrl.u32 v13, $0x10  }
0x398: {  	[tilespmem:v5+s24+$0x0] =	vst.idx.add.s32.msk $0xffff, v1;
	v4 =	vshrl.u32 v14, $0x10  }
0x399: {  	[tilespmem:v6+s24+$0x0] =	vst.idx.add.s32.msk $0xffff, v1;
	v2 =	vshrl.u32 v15, $0x10  }
0x39a: {  	[tilespmem:v7+s24+$0x0] =	vst.idx.add.s32.msk $0xffff, v1;
	v3 =	vshrl.u32 v17, $0x10  }
0x39b: {  	[tilespmem:v8+s24+$0x0] =	vst.idx.add.s32.msk $0xffff, v1  }
0x39c: {  	[tilespmem:v9+s24+$0x0] =	vst.idx.add.s32.msk $0xffff, v1  }
.Ltmp13:
0x39d: {  	[tilespmem:v10+s24+$0x0] =	vst.idx.add.s32.msk $0xffff, v1;
	(pc) =	sbr.rel @p0 .LBB2_28-.Ltmp13, $4  }
0x39e: {  	[tilespmem:v11+s24+$0x0] =	vst.idx.add.s32.msk $0xffff, v1  }
0x39f: {  	[tilespmem:v16+s24+$0x0] =	vst.idx.add.s32.msk $0xffff, v1  }
0x3a0: {  	[tilespmem:v12+s24+$0x0] =	vst.idx.add.s32.msk $0xffff, v1  }
0x3a1: {  	[tilespmem:v13+s24+$0x0] =	vst.idx.add.s32.msk $0xffff, v1  }
0x3a2: {  	_ =	sdelay $0x3  }
0x3a3: {  	[tilespmem:v4+s24+$0x0] =	vst.idx.add.s32.msk $0xffff, v1  }
0x3a4: {  	[tilespmem:v2+s24+$0x0] =	vst.idx.add.s32.msk $0xffff, v1  }
0x3a5: {  	[tilespmem:v3+s24+$0x0] =	vst.idx.add.s32.msk $0xffff, v1;
	s1 =	simm.s32 $0x0  }
0x3a6: {  	[tilespmem:s1], [sflag:$0x1] =	stream.linear.gather [hbm4b:s18+s1], $0x4000, $0x38;
	[tilespmem:$0x1C000] =	vst v63  }
0x3a7: {  	s0 =	simm.s32 $0x0;
	_ =	swait.ge [sflag:s25], $0x4000  }
0x3a8: {  	s28 =	sand.u32 $0x3800, s1;
	s29 =	sand.u32 $0x380, s0;
	[sflag:s25] =	ssyncset.done $0x0  }
0x3a9: {  	s28 =	sor.u32 s29, s28;
	[sflag:s25] =	ssyncadd.s32 $0xFFFFC000  }
0x3aa: {  	v2 =	vld [tilespmem:s28+$0x4470]  }
0x3ab: {  	v3 =	vld [tilespmem:s28+$0x4000]  }
0x3ac: {  	v4 =	vld [tilespmem:s28+$0x4010]  }
0x3ad: {  	v5 =	vld [tilespmem:s28+$0x4020]  }
0x3ae: {  	v6 =	vld [tilespmem:s28+$0x4030]  }
0x3af: {  	v7 =	vld [tilespmem:s28+$0x4040]  }
0x3b0: {  	v8 =	vld [tilespmem:s28+$0x4050]  }
0x3b1: {  	v9 =	vld [tilespmem:s28+$0x4060]  }
0x3b2: {  	v10 =	vld [tilespmem:s28+$0x4070]  }
0x3b3: {  	v11 =	vld [tilespmem:s28+$0x4400];
	v2 =	vshrl.u32 v2, $0x10  }
0x3b4: {  	v12 =	vld [tilespmem:s28+$0x4420]  }
0x3b5: {  	v13 =	vld [tilespmem:s28+$0x4430]  }
0x3b6: {  	v14 =	vld [tilespmem:s28+$0x4440];
	v3 =	vshrl.u32 v3, $0x10  }
0x3b7: {  	v15 =	vld [tilespmem:s28+$0x4450];
	v4 =	vshrl.u32 v4, $0x10  }
0x3b8: {  	v5 =	vshrl.u32 v5, $0x10;
	[tilespmem:v2+s24+$0x0] =	vst.idx.add.s32.msk $0xffff, v1  }
0x3b9: {  	v6 =	vshrl.u32 v6, $0x10;
	v2 =	vld [tilespmem:s28+$0x4410]  }
0x3ba: {  	v16 =	vld [tilespmem:s28+$0x4460];
	v7 =	vshrl.u32 v7, $0x10  }
0x3bb: {  	v8 =	vshrl.u32 v8, $0x10;
	[tilespmem:v3+s24+$0x0] =	vst.idx.add.s32.msk $0xffff, v1  }
0x3bc: {  	v3 =	vshrl.u32 v9, $0x10;
	[tilespmem:v4+s24+$0x0] =	vst.idx.add.s32.msk $0xffff, v1  }
0x3bd: {  	v4 =	vshrl.u32 v10, $0x10;
	[tilespmem:v5+s24+$0x0] =	vst.idx.add.s32.msk $0xffff, v1  }
0x3be: {  	[tilespmem:v6+s24+$0x0] =	vst.idx.add.s32.msk $0xffff, v1;
	v2 =	vshrl.u32 v2, $0x10  }
0x3bf: {  	v5 =	vshrl.u32 v11, $0x10;
	[tilespmem:v7+s24+$0x0] =	vst.idx.add.s32.msk $0xffff, v1  }
0x3c0: {  	v6 =	vshrl.u32 v12, $0x10;
	[tilespmem:v8+s24+$0x0] =	vst.idx.add.s32.msk $0xffff, v1  }
0x3c1: {  	v7 =	vshrl.u32 v13, $0x10;
	[tilespmem:v3+s24+$0x0] =	vst.idx.add.s32.msk $0xffff, v1  }
0x3c2: {  	[tilespmem:v4+s24+$0x0] =	vst.idx.add.s32.msk $0xffff, v1;
	v4 =	vshrl.u32 v14, $0x10  }
0x3c3: {  	[tilespmem:v2+s24+$0x0] =	vst.idx.add.s32.msk $0xffff, v1;
	v2 =	vshrl.u32 v15, $0x10  }
0x3c4: {  	[tilespmem:v5+s24+$0x0] =	vst.idx.add.s32.msk $0xffff, v1;
	v3 =	vshrl.u32 v16, $0x10  }
0x3c5: {  	[tilespmem:v6+s24+$0x0] =	vst.idx.add.s32.msk $0xffff, v1  }
0x3c6: {  	[tilespmem:v7+s24+$0x0] =	vst.idx.add.s32.msk $0xffff, v1  }
.LBB2_30:
0x3c7: {  	s0 =	sadd.s32 $0x10, s0;
	[tilespmem:v4+s24+$0x0] =	vst.idx.add.s32.msk $0xffff, v1;
	s1 =	sadd.s32 $0x800, s1  }
0x3c8: {  	s28 =	sand.u32 $0x3800, s1;
	s29 =	sand.u32 $0x380, s0;
	p0 =	slt.u32 s0, $0x3F0;
	[tilespmem:v2+s24+$0x0] =	vst.idx.add.s32.msk $0xffff, v1  }
0x3c9: {  	s28 =	sor.u32 s29, s28;
	[tilespmem:v3+s24+$0x0] =	vst.idx.add.s32.msk $0xffff, v1  }
0x3ca: {  	v2 =	vld [tilespmem:s28+$0x4470]  }
0x3cb: {  	v3 =	vld [tilespmem:s28+$0x4000]  }
0x3cc: {  	v4 =	vld [tilespmem:s28+$0x4010]  }
0x3cd: {  	v5 =	vld [tilespmem:s28+$0x4020]  }
0x3ce: {  	v6 =	vld [tilespmem:s28+$0x4030]  }
0x3cf: {  	v7 =	vld [tilespmem:s28+$0x4040];
	v2 =	vshrl.u32 v2, $0x10  }
0x3d0: {  	v3 =	vshrl.u32 v3, $0x10;
	v8 =	vld [tilespmem:s28+$0x4050]  }
0x3d1: {  	v4 =	vshrl.u32 v4, $0x10;
	v9 =	vld [tilespmem:s28+$0x4060]  }
0x3d2: {  	v5 =	vshrl.u32 v5, $0x10;
	v10 =	vld [tilespmem:s28+$0x4070]  }
0x3d3: {  	v6 =	vshrl.u32 v6, $0x10;
	v11 =	vld [tilespmem:s28+$0x4400]  }
0x3d4: {  	v7 =	vshrl.u32 v7, $0x10;
	[tilespmem:v2+s24+$0x0] =	vst.idx.add.s32.msk $0xffff, v1  }
0x3d5: {  	v8 =	vshrl.u32 v8, $0x10;
	v2 =	vld [tilespmem:s28+$0x4410]  }
0x3d6: {  	v9 =	vshrl.u32 v9, $0x10;
	v12 =	vld [tilespmem:s28+$0x4420]  }
0x3d7: {  	v10 =	vshrl.u32 v10, $0x10;
	v13 =	vld [tilespmem:s28+$0x4430]  }
0x3d8: {  	v11 =	vshrl.u32 v11, $0x10;
	v14 =	vld [tilespmem:s28+$0x4440]  }
0x3d9: {  	v15 =	vld [tilespmem:s28+$0x4450]  }
0x3da: {  	v16 =	vshrl.u32 v2, $0x10;
	v17 =	vld [tilespmem:s28+$0x4460]  }
0x3db: {  	[tilespmem:v3+s24+$0x0] =	vst.idx.add.s32.msk $0xffff, v1;
	v12 =	vshrl.u32 v12, $0x10  }
0x3dc: {  	[tilespmem:v4+s24+$0x0] =	vst.idx.add.s32.msk $0xffff, v1;
	v13 =	vshrl.u32 v13, $0x10  }
0x3dd: {  	[tilespmem:v5+s24+$0x0] =	vst.idx.add.s32.msk $0xffff, v1;
	v4 =	vshrl.u32 v14, $0x10  }
0x3de: {  	[tilespmem:v6+s24+$0x0] =	vst.idx.add.s32.msk $0xffff, v1;
	v2 =	vshrl.u32 v15, $0x10  }
0x3df: {  	[tilespmem:v7+s24+$0x0] =	vst.idx.add.s32.msk $0xffff, v1;
	v3 =	vshrl.u32 v17, $0x10  }
0x3e0: {  	[tilespmem:v8+s24+$0x0] =	vst.idx.add.s32.msk $0xffff, v1  }
0x3e1: {  	[tilespmem:v9+s24+$0x0] =	vst.idx.add.s32.msk $0xffff, v1  }
.Ltmp14:
0x3e2: {  	[tilespmem:v10+s24+$0x0] =	vst.idx.add.s32.msk $0xffff, v1;
	(pc) =	sbr.rel @p0 .LBB2_30-.Ltmp14, $4  }
0x3e3: {  	[tilespmem:v11+s24+$0x0] =	vst.idx.add.s32.msk $0xffff, v1  }
0x3e4: {  	[tilespmem:v16+s24+$0x0] =	vst.idx.add.s32.msk $0xffff, v1  }
0x3e5: {  	[tilespmem:v12+s24+$0x0] =	vst.idx.add.s32.msk $0xffff, v1  }
0x3e6: {  	[tilespmem:v13+s24+$0x0] =	vst.idx.add.s32.msk $0xffff, v1  }
0x3e7: {  	_ =	sdelay $0x3  }
0x3e8: {  	[tilespmem:v4+s24+$0x0] =	vst.idx.add.s32.msk $0xffff, v1  }
0x3e9: {  	[tilespmem:v2+s24+$0x0] =	vst.idx.add.s32.msk $0xffff, v1  }
0x3ea: {  	[tilespmem:v3+s24+$0x0] =	vst.idx.add.s32.msk $0xffff, v1  }
0x3eb: {  	s1 =	simm.s32 $0x0;
	s0 =	simm.s32 $0x0;
	_ =	swait.ge [sflag:s26], $0x4000  }
0x3ec: {  	s28 =	sand.u32 $0x3800, s1;
	s29 =	sand.u32 $0x380, s0;
	[sflag:s26] =	ssyncset.done $0x0  }
0x3ed: {  	s28 =	sor.u32 s29, s28;
	[sflag:s26] =	ssyncadd.s32 $0xFFFFC000  }
0x3ee: {  	v2 =	vld [tilespmem:s28+$0x8470]  }
0x3ef: {  	v3 =	vld [tilespmem:s28+$0x8000]  }
0x3f0: {  	v4 =	vld [tilespmem:s28+$0x8010]  }
0x3f1: {  	v5 =	vld [tilespmem:s28+$0x8020]  }
0x3f2: {  	v6 =	vld [tilespmem:s28+$0x8030]  }
0x3f3: {  	v7 =	vld [tilespmem:s28+$0x8040]  }
0x3f4: {  	v8 =	vld [tilespmem:s28+$0x8050]  }
0x3f5: {  	v9 =	vld [tilespmem:s28+$0x8060]  }
0x3f6: {  	v10 =	vld [tilespmem:s28+$0x8070]  }
0x3f7: {  	v11 =	vld [tilespmem:s28+$0x8400];
	v2 =	vshrl.u32 v2, $0x10  }
0x3f8: {  	v12 =	vld [tilespmem:s28+$0x8420]  }
0x3f9: {  	v13 =	vld [tilespmem:s28+$0x8430]  }
0x3fa: {  	v14 =	vld [tilespmem:s28+$0x8440];
	v3 =	vshrl.u32 v3, $0x10  }
0x3fb: {  	v15 =	vld [tilespmem:s28+$0x8450];
	v4 =	vshrl.u32 v4, $0x10  }
0x3fc: {  	v5 =	vshrl.u32 v5, $0x10;
	[tilespmem:v2+s24+$0x0] =	vst.idx.add.s32.msk $0xffff, v1  }
0x3fd: {  	v6 =	vshrl.u32 v6, $0x10;
	v2 =	vld [tilespmem:s28+$0x8410]  }
0x3fe: {  	v16 =	vld [tilespmem:s28+$0x8460];
	v7 =	vshrl.u32 v7, $0x10  }
0x3ff: {  	v8 =	vshrl.u32 v8, $0x10;
	[tilespmem:v3+s24+$0x0] =	vst.idx.add.s32.msk $0xffff, v1  }
0x400: {  	v3 =	vshrl.u32 v9, $0x10;
	[tilespmem:v4+s24+$0x0] =	vst.idx.add.s32.msk $0xffff, v1  }
0x401: {  	v4 =	vshrl.u32 v10, $0x10;
	[tilespmem:v5+s24+$0x0] =	vst.idx.add.s32.msk $0xffff, v1  }
0x402: {  	[tilespmem:v6+s24+$0x0] =	vst.idx.add.s32.msk $0xffff, v1;
	v2 =	vshrl.u32 v2, $0x10  }
0x403: {  	v5 =	vshrl.u32 v11, $0x10;
	[tilespmem:v7+s24+$0x0] =	vst.idx.add.s32.msk $0xffff, v1  }
0x404: {  	v6 =	vshrl.u32 v12, $0x10;
	[tilespmem:v8+s24+$0x0] =	vst.idx.add.s32.msk $0xffff, v1  }
0x405: {  	v7 =	vshrl.u32 v13, $0x10;
	[tilespmem:v3+s24+$0x0] =	vst.idx.add.s32.msk $0xffff, v1  }
0x406: {  	[tilespmem:v4+s24+$0x0] =	vst.idx.add.s32.msk $0xffff, v1;
	v4 =	vshrl.u32 v14, $0x10  }
0x407: {  	[tilespmem:v2+s24+$0x0] =	vst.idx.add.s32.msk $0xffff, v1;
	v2 =	vshrl.u32 v15, $0x10  }
0x408: {  	[tilespmem:v5+s24+$0x0] =	vst.idx.add.s32.msk $0xffff, v1;
	v3 =	vshrl.u32 v16, $0x10  }
0x409: {  	[tilespmem:v6+s24+$0x0] =	vst.idx.add.s32.msk $0xffff, v1  }
0x40a: {  	[tilespmem:v7+s24+$0x0] =	vst.idx.add.s32.msk $0xffff, v1  }
.LBB2_32:
0x40b: {  	s0 =	sadd.s32 $0x10, s0;
	[tilespmem:v4+s24+$0x0] =	vst.idx.add.s32.msk $0xffff, v1;
	s1 =	sadd.s32 $0x800, s1  }
0x40c: {  	s28 =	sand.u32 $0x3800, s1;
	s29 =	sand.u32 $0x380, s0;
	p0 =	slt.u32 s0, $0x3F0;
	[tilespmem:v2+s24+$0x0] =	vst.idx.add.s32.msk $0xffff, v1  }
0x40d: {  	s28 =	sor.u32 s29, s28;
	[tilespmem:v3+s24+$0x0] =	vst.idx.add.s32.msk $0xffff, v1  }
0x40e: {  	v2 =	vld [tilespmem:s28+$0x8470]  }
0x40f: {  	v3 =	vld [tilespmem:s28+$0x8000]  }
0x410: {  	v4 =	vld [tilespmem:s28+$0x8010]  }
0x411: {  	v5 =	vld [tilespmem:s28+$0x8020]  }
0x412: {  	v6 =	vld [tilespmem:s28+$0x8030]  }
0x413: {  	v7 =	vld [tilespmem:s28+$0x8040];
	v2 =	vshrl.u32 v2, $0x10  }
0x414: {  	v3 =	vshrl.u32 v3, $0x10;
	v8 =	vld [tilespmem:s28+$0x8050]  }
0x415: {  	v4 =	vshrl.u32 v4, $0x10;
	v9 =	vld [tilespmem:s28+$0x8060]  }
0x416: {  	v5 =	vshrl.u32 v5, $0x10;
	v10 =	vld [tilespmem:s28+$0x8070]  }
0x417: {  	v6 =	vshrl.u32 v6, $0x10;
	v11 =	vld [tilespmem:s28+$0x8400]  }
0x418: {  	v7 =	vshrl.u32 v7, $0x10;
	[tilespmem:v2+s24+$0x0] =	vst.idx.add.s32.msk $0xffff, v1  }
0x419: {  	v8 =	vshrl.u32 v8, $0x10;
	v2 =	vld [tilespmem:s28+$0x8410]  }
0x41a: {  	v9 =	vshrl.u32 v9, $0x10;
	v12 =	vld [tilespmem:s28+$0x8420]  }
0x41b: {  	v10 =	vshrl.u32 v10, $0x10;
	v13 =	vld [tilespmem:s28+$0x8430]  }
0x41c: {  	v11 =	vshrl.u32 v11, $0x10;
	v14 =	vld [tilespmem:s28+$0x8440]  }
0x41d: {  	v15 =	vld [tilespmem:s28+$0x8450]  }
0x41e: {  	v16 =	vshrl.u32 v2, $0x10;
	v17 =	vld [tilespmem:s28+$0x8460]  }
0x41f: {  	[tilespmem:v3+s24+$0x0] =	vst.idx.add.s32.msk $0xffff, v1;
	v12 =	vshrl.u32 v12, $0x10  }
0x420: {  	[tilespmem:v4+s24+$0x0] =	vst.idx.add.s32.msk $0xffff, v1;
	v13 =	vshrl.u32 v13, $0x10  }
0x421: {  	[tilespmem:v5+s24+$0x0] =	vst.idx.add.s32.msk $0xffff, v1;
	v4 =	vshrl.u32 v14, $0x10  }
0x422: {  	[tilespmem:v6+s24+$0x0] =	vst.idx.add.s32.msk $0xffff, v1;
	v2 =	vshrl.u32 v15, $0x10  }
0x423: {  	[tilespmem:v7+s24+$0x0] =	vst.idx.add.s32.msk $0xffff, v1;
	v3 =	vshrl.u32 v17, $0x10  }
0x424: {  	[tilespmem:v8+s24+$0x0] =	vst.idx.add.s32.msk $0xffff, v1  }
0x425: {  	[tilespmem:v9+s24+$0x0] =	vst.idx.add.s32.msk $0xffff, v1  }
.Ltmp15:
0x426: {  	[tilespmem:v10+s24+$0x0] =	vst.idx.add.s32.msk $0xffff, v1;
	(pc) =	sbr.rel @p0 .LBB2_32-.Ltmp15, $4  }
0x427: {  	[tilespmem:v11+s24+$0x0] =	vst.idx.add.s32.msk $0xffff, v1  }
0x428: {  	[tilespmem:v16+s24+$0x0] =	vst.idx.add.s32.msk $0xffff, v1  }
0x429: {  	[tilespmem:v12+s24+$0x0] =	vst.idx.add.s32.msk $0xffff, v1  }
0x42a: {  	[tilespmem:v13+s24+$0x0] =	vst.idx.add.s32.msk $0xffff, v1  }
0x42b: {  	_ =	sdelay $0x3  }
0x42c: {  	[tilespmem:v4+s24+$0x0] =	vst.idx.add.s32.msk $0xffff, v1  }
0x42d: {  	[tilespmem:v2+s24+$0x0] =	vst.idx.add.s32.msk $0xffff, v1  }
0x42e: {  	[tilespmem:v3+s24+$0x0] =	vst.idx.add.s32.msk $0xffff, v1  }
0x42f: {  	s1 =	simm.s32 $0x0;
	s0 =	simm.s32 $0x0;
	_ =	swait.ge [sflag:s23], $0x4000  }
0x430: {  	s28 =	sand.u32 $0x3800, s1;
	s29 =	sand.u32 $0x380, s0;
	[sflag:s23] =	ssyncset.done $0x0  }
0x431: {  	s28 =	sor.u32 s29, s28;
	[sflag:s23] =	ssyncadd.s32 $0xFFFFC000  }
0x432: {  	v2 =	vld [tilespmem:s28+$0x470]  }
0x433: {  	v3 =	vld [tilespmem:s28+$0x0]  }
0x434: {  	v4 =	vld [tilespmem:s28+$0x10]  }
0x435: {  	v5 =	vld [tilespmem:s28+$0x20]  }
0x436: {  	v6 =	vld [tilespmem:s28+$0x30]  }
0x437: {  	v7 =	vld [tilespmem:s28+$0x40]  }
0x438: {  	v8 =	vld [tilespmem:s28+$0x50]  }
0x439: {  	v9 =	vld [tilespmem:s28+$0x60]  }
0x43a: {  	v10 =	vld [tilespmem:s28+$0x70]  }
0x43b: {  	v11 =	vld [tilespmem:s28+$0x400];
	v2 =	vshrl.u32 v2, $0x10  }
0x43c: {  	v12 =	vld [tilespmem:s28+$0x420]  }
0x43d: {  	v13 =	vld [tilespmem:s28+$0x430]  }
0x43e: {  	v14 =	vld [tilespmem:s28+$0x440];
	v3 =	vshrl.u32 v3, $0x10  }
0x43f: {  	v15 =	vld [tilespmem:s28+$0x450];
	v4 =	vshrl.u32 v4, $0x10  }
0x440: {  	v5 =	vshrl.u32 v5, $0x10;
	[tilespmem:v2+s24+$0x0] =	vst.idx.add.s32.msk $0xffff, v1  }
0x441: {  	v6 =	vshrl.u32 v6, $0x10;
	v2 =	vld [tilespmem:s28+$0x410]  }
0x442: {  	v16 =	vld [tilespmem:s28+$0x460];
	v7 =	vshrl.u32 v7, $0x10  }
0x443: {  	v8 =	vshrl.u32 v8, $0x10;
	[tilespmem:v3+s24+$0x0] =	vst.idx.add.s32.msk $0xffff, v1  }
0x444: {  	v3 =	vshrl.u32 v9, $0x10;
	[tilespmem:v4+s24+$0x0] =	vst.idx.add.s32.msk $0xffff, v1  }
0x445: {  	v4 =	vshrl.u32 v10, $0x10;
	[tilespmem:v5+s24+$0x0] =	vst.idx.add.s32.msk $0xffff, v1  }
0x446: {  	[tilespmem:v6+s24+$0x0] =	vst.idx.add.s32.msk $0xffff, v1;
	v2 =	vshrl.u32 v2, $0x10  }
0x447: {  	v5 =	vshrl.u32 v11, $0x10;
	[tilespmem:v7+s24+$0x0] =	vst.idx.add.s32.msk $0xffff, v1  }
0x448: {  	v6 =	vshrl.u32 v12, $0x10;
	[tilespmem:v8+s24+$0x0] =	vst.idx.add.s32.msk $0xffff, v1  }
0x449: {  	v7 =	vshrl.u32 v13, $0x10;
	[tilespmem:v3+s24+$0x0] =	vst.idx.add.s32.msk $0xffff, v1  }
0x44a: {  	[tilespmem:v4+s24+$0x0] =	vst.idx.add.s32.msk $0xffff, v1;
	v4 =	vshrl.u32 v14, $0x10  }
0x44b: {  	[tilespmem:v2+s24+$0x0] =	vst.idx.add.s32.msk $0xffff, v1;
	v2 =	vshrl.u32 v15, $0x10  }
0x44c: {  	[tilespmem:v5+s24+$0x0] =	vst.idx.add.s32.msk $0xffff, v1;
	v3 =	vshrl.u32 v16, $0x10  }
0x44d: {  	[tilespmem:v6+s24+$0x0] =	vst.idx.add.s32.msk $0xffff, v1  }
0x44e: {  	[tilespmem:v7+s24+$0x0] =	vst.idx.add.s32.msk $0xffff, v1  }
.LBB2_34:
0x44f: {  	s0 =	sadd.s32 $0x10, s0;
	[tilespmem:v4+s24+$0x0] =	vst.idx.add.s32.msk $0xffff, v1;
	s1 =	sadd.s32 $0x800, s1  }
0x450: {  	s28 =	sand.u32 $0x3800, s1;
	s29 =	sand.u32 $0x380, s0;
	p0 =	slt.u32 s0, $0x3F0;
	[tilespmem:v2+s24+$0x0] =	vst.idx.add.s32.msk $0xffff, v1  }
0x451: {  	s28 =	sor.u32 s29, s28;
	[tilespmem:v3+s24+$0x0] =	vst.idx.add.s32.msk $0xffff, v1  }
0x452: {  	v2 =	vld [tilespmem:s28+$0x470]  }
0x453: {  	v3 =	vld [tilespmem:s28+$0x0]  }
0x454: {  	v4 =	vld [tilespmem:s28+$0x10]  }
0x455: {  	v5 =	vld [tilespmem:s28+$0x20]  }
0x456: {  	v6 =	vld [tilespmem:s28+$0x30]  }
0x457: {  	v7 =	vld [tilespmem:s28+$0x40];
	v2 =	vshrl.u32 v2, $0x10  }
0x458: {  	v3 =	vshrl.u32 v3, $0x10;
	v8 =	vld [tilespmem:s28+$0x50]  }
0x459: {  	v4 =	vshrl.u32 v4, $0x10;
	v9 =	vld [tilespmem:s28+$0x60]  }
0x45a: {  	v5 =	vshrl.u32 v5, $0x10;
	v10 =	vld [tilespmem:s28+$0x70]  }
0x45b: {  	v6 =	vshrl.u32 v6, $0x10;
	v11 =	vld [tilespmem:s28+$0x400]  }
0x45c: {  	v7 =	vshrl.u32 v7, $0x10;
	[tilespmem:v2+s24+$0x0] =	vst.idx.add.s32.msk $0xffff, v1  }
0x45d: {  	v8 =	vshrl.u32 v8, $0x10;
	v2 =	vld [tilespmem:s28+$0x410]  }
0x45e: {  	v9 =	vshrl.u32 v9, $0x10;
	v12 =	vld [tilespmem:s28+$0x420]  }
0x45f: {  	v10 =	vshrl.u32 v10, $0x10;
	v13 =	vld [tilespmem:s28+$0x430]  }
0x460: {  	v11 =	vshrl.u32 v11, $0x10;
	v14 =	vld [tilespmem:s28+$0x440]  }
0x461: {  	v15 =	vld [tilespmem:s28+$0x450]  }
0x462: {  	v16 =	vshrl.u32 v2, $0x10;
	v17 =	vld [tilespmem:s28+$0x460]  }
0x463: {  	[tilespmem:v3+s24+$0x0] =	vst.idx.add.s32.msk $0xffff, v1;
	v12 =	vshrl.u32 v12, $0x10  }
0x464: {  	[tilespmem:v4+s24+$0x0] =	vst.idx.add.s32.msk $0xffff, v1;
	v13 =	vshrl.u32 v13, $0x10  }
0x465: {  	[tilespmem:v5+s24+$0x0] =	vst.idx.add.s32.msk $0xffff, v1;
	v4 =	vshrl.u32 v14, $0x10  }
0x466: {  	[tilespmem:v6+s24+$0x0] =	vst.idx.add.s32.msk $0xffff, v1;
	v2 =	vshrl.u32 v15, $0x10  }
0x467: {  	[tilespmem:v7+s24+$0x0] =	vst.idx.add.s32.msk $0xffff, v1;
	v3 =	vshrl.u32 v17, $0x10  }
0x468: {  	[tilespmem:v8+s24+$0x0] =	vst.idx.add.s32.msk $0xffff, v1  }
0x469: {  	[tilespmem:v9+s24+$0x0] =	vst.idx.add.s32.msk $0xffff, v1  }
.Ltmp16:
0x46a: {  	[tilespmem:v10+s24+$0x0] =	vst.idx.add.s32.msk $0xffff, v1;
	(pc) =	sbr.rel @p0 .LBB2_34-.Ltmp16, $4  }
0x46b: {  	[tilespmem:v11+s24+$0x0] =	vst.idx.add.s32.msk $0xffff, v1  }
0x46c: {  	[tilespmem:v16+s24+$0x0] =	vst.idx.add.s32.msk $0xffff, v1  }
0x46d: {  	[tilespmem:v12+s24+$0x0] =	vst.idx.add.s32.msk $0xffff, v1  }
0x46e: {  	[tilespmem:v13+s24+$0x0] =	vst.idx.add.s32.msk $0xffff, v1  }
0x46f: {  	_ =	sdelay $0x3  }
0x470: {  	[tilespmem:v4+s24+$0x0] =	vst.idx.add.s32.msk $0xffff, v1;
	s31 =	sadd.s32 $0x1, s31  }
0x471: {  	[tilespmem:v2+s24+$0x0] =	vst.idx.add.s32.msk $0xffff, v1;
	p0 =	sne.s32 s31, s20  }
.Ltmp17:
0x472: {  	[tilespmem:v3+s24+$0x0] =	vst.idx.add.s32.msk $0xffff, v1;
	s0 =	simm.s32 $0x80;
	s1 =	simm.s32 $0x400;
	(pc) =	sbr.rel @p0 .LBB2_1-.Ltmp17, $4  }
0x473: {  	[hbm4b:s19+s0] =	stream.strided.scatter [tilespmem:s24], [sflag:$0x4], $0x10000, s1, s0, $0x38;
	[tilespmem:$0x1C000] =	vst v63  }
0x474: {  	_ =	swait.ge [sflag:s30], $0x10000  }
0x475: {  	[sflag:s30] =	ssyncset.done $0x0  }
0x476: {  	[sflag:s30] =	ssyncadd.s32 $0xFFFF0000  }
0x477: {  	_ =	sfence.sel $0x180000  }
0x478: {  	[bflag:$0x0] =	sbarrier.arrive $0xFFFF  }
0x479: {  	_ =	strace $0x90000047  }
0x47a: {  	s0 =	stileid.u32;
	[bflag:$0x2] =	sbarrier.arrive $0xFFFF  }
0x47b: {  	p0 =	sne.s32 s0, $0x0;
	s0 =	rddreg [dreg:$0x2]  }
0x47c: {  	s0 =	sadd.s32 @!p0 $0x100000, s0  }
0x47d: {  	[sflag:s0] =	ssyncadd.tile.s32 @!p0 $0x1;
	_ =	shalt  }
.Lfunc_end2:
_tile_overlayer_lowered:
.L_overlay_start_2:
0x47e: {  	(tag) =	ssettag $0x2  }
0x47f: {  	s0 =	rddreg [dreg:$0x0];
	s2 =	stileid.u32  }
0x480: {  	s1 =	rddreg [dreg:$0x1];
	p0 =	sne.s32 s2, $0x0  }
0x481: {  	s3 =	rddreg [dreg:$0x2];
	[bflag:$0x3] =	sbarrier.arrive $0xFFFF;
	s2 =	simm.s32 @!p0 $0x1C04  }
0x482: {  	[timem:s3], [sflag:s2] =	dma.local @!p0 [hbm:s0], s1  }
0x483: {  	s0 =	simm.s32 @!p0 $0x4  }
0x484: {  	_ =	swait.ge @!p0 [sflag:s0], s1  }
0x485: {  	s1 =	ssub.s32 @!p0 $0x0, s1;
	[sflag:s0] =	ssyncset.done @!p0 $0x0  }
0x486: {  	[sflag:s0] =	ssyncadd.s32 @!p0 s1  }
0x487: {  	[bflag:$0x3] =	sbarrier.arrive $0xFFFF  }
0x488: {  	_ =	shalt  }

</sc_bundles>
